<compile_context>
chip_gen: v7x
topology: tpu7x:2x2x1
jax: 0.10.2.dev20260603
libtpu: 0.0.44.dev20260713+nightly
codegen_flags: <defaults>
</compile_context>

<pallas_src>
import functools

import jax
import jax.numpy as jnp
from jax import lax
from jax.experimental import pallas as pl
from jax.experimental.pallas import tpu as pltpu
from jax.experimental.pallas import tpu_sc as plsc

EMBD = 64
TAGS = 20
PTAGS = 32
QS = 4
NC, NS = 2, 16
NW = NC * NS
CHUNK = 128
NBUF = 5
VR = 8192



def _project_body(t_ref, m_ref, out_ref, *, vocab):
    slab = t_ref[...]
    width = slab.shape[1]
    col0 = pl.program_id(0) * width
    col = col0 + lax.broadcasted_iota(jnp.int32, slab.shape, 1)
    slab = jnp.where(col < vocab, slab, 0.0)
    stacked = jnp.concatenate(
        [slab[:, q * VR:(q + 1) * VR] for q in range(QS)], axis=0)
    out_ref[...] = lax.dot_general(
        stacked, m_ref[...], (((0,), (0,)), ((), ())),
        preferred_element_type=jnp.float32)


def _project(table_t, mcat, grid_n, interpret=False):
    vocab = table_t.shape[1]
    return pl.pallas_call(
        functools.partial(_project_body, vocab=vocab),
        grid=(grid_n,),
        in_specs=[
            pl.BlockSpec((EMBD, QS * VR), lambda i: (0, i)),
            pl.BlockSpec((QS * EMBD, QS * PTAGS), lambda i: (0, 0)),
        ],
        out_specs=pl.BlockSpec((VR, QS * PTAGS), lambda i: (i, 0)),
        out_shape=jax.ShapeDtypeStruct((grid_n * VR, QS * PTAGS),
                                       jnp.float32),
        compiler_params=pltpu.CompilerParams(
            dimension_semantics=("parallel",)),
        interpret=interpret,
    )(table_t, mcat)



def _sc_gather_body(idx_hbm, p_hbm, out_hbm, idx_v, *rest):
    bufs = rest[:NBUF]
    gsems = rest[NBUF:2 * NBUF]
    osems = rest[2 * NBUF:3 * NBUF]
    cpw = idx_v.shape[0]
    groups = cpw // NBUF
    wid = lax.axis_index("s") * NC + lax.axis_index("c")
    chunk0 = wid * cpw

    pltpu.sync_copy(idx_hbm.at[wid], idx_v)

    def starts(j, c):
        pltpu.async_copy(p_hbm.at[idx_v.at[c]], bufs[j], gsems[j])

    def waits(j):
        pltpu.make_async_copy(p_hbm.at[idx_v.at[0]], bufs[j],
                              gsems[j]).wait()

    cps = out_hbm.shape[0] // CHUNK

    def out_starts(j, c):
        cc = chunk0 + c
        qq = cc // cps
        k0 = (cc - qq * cps) * CHUNK
        pltpu.async_copy(bufs[j], out_hbm.at[pl.ds(k0, CHUNK), qq],
                         osems[j])

    def out_waits(j):
        pltpu.make_async_copy(bufs[j], out_hbm.at[pl.ds(0, CHUNK), 0],
                              osems[j]).wait()

    for j in range(NBUF):
        starts(j, j)

    @pl.loop(0, groups - 1)
    def _(k):
        for j in range(NBUF):
            c = k * NBUF + j
            waits(j)
            out_starts(j, c)
            out_waits(j)
            starts(j, c + NBUF)

    for j in range(NBUF):
        c = cpw - NBUF + j
        waits(j)
        out_starts(j, c)
        out_waits(j)


def _sc_gather(idx3d, p_flat, n_tokens):
    mesh = plsc.VectorSubcoreMesh(core_axis_name="c", subcore_axis_name="s")
    cpw = idx3d.shape[1]
    run = pl.kernel(
        _sc_gather_body,
        out_type=jax.ShapeDtypeStruct((n_tokens // QS, QS, PTAGS),
                                      jnp.float32),
        mesh=mesh,
        scratch_types=(
            [pltpu.VMEM((cpw, CHUNK), jnp.int32)]
            + [pltpu.VMEM((CHUNK, PTAGS), jnp.float32) for _ in range(NBUF)]
            + [pltpu.SemaphoreType.DMA for _ in range(2 * NBUF)]
        ),
        compiler_params=pltpu.CompilerParams(use_tc_tiling_on_sc=False),
    )
    return run(idx3d, p_flat)



def _final_body(pl_ref, b_ref, ml0, ml1, ml2, ml3,
                pp_ref, loss_ref, acc_ref):
    i = pl.program_id(0)

    @pl.when(i == 0)
    def _():
        acc_ref[0] = 0.0
        acc_ref[1] = 0.0

    r = pl_ref.shape[0] // (QS * PTAGS)
    slab = pl_ref[...].reshape(r, QS * PTAGS)
    slab_t = jnp.transpose(slab, (1, 0))
    iota0 = lax.broadcasted_iota(jnp.int32, (TAGS, r), 0)
    bias = b_ref[...][:, None]
    mls = (ml0, ml1, ml2, ml3)
    nll_tot = 0.0
    cnt_tot = 0.0
    packed = jnp.zeros((r,), jnp.int32)
    for q in range(QS):
        out = slab_t[q * PTAGS:q * PTAGS + TAGS, :] + bias
        m = jnp.max(out, axis=0, keepdims=True)
        pred = jnp.min(jnp.where(out == m, iota0, TAGS), axis=0)
        packed = packed | (pred << (5 * q))
        lse = m[0] + jnp.log(jnp.sum(jnp.exp(out - m), axis=0))
        ml = mls[q][...]
        msk = ml >> 5
        lab = ml & 31
        labm = jnp.where(msk == 0, -1, lab)
        valid = labm != -1
        safe = jnp.where(valid, labm, 0)
        picked = jnp.sum(jnp.where(iota0 == safe[None, :], out, 0.0), axis=0)
        nll_tot += jnp.sum(jnp.where(valid, lse - picked, 0.0))
        cnt_tot += jnp.sum(valid.astype(jnp.float32))
    pp_ref[...] = packed
    acc_ref[0] += nll_tot
    acc_ref[1] += cnt_tot

    @pl.when(i == pl.num_programs(0) - 1)
    def _():
        loss_ref[0, 0] = acc_ref[0] / jnp.maximum(acc_ref[1], 1.0)


def _finalize(plog1d, b, ml_strips, rows_per_step=2048, interpret=False):
    t4 = plog1d.shape[0] // (QS * PTAGS)
    grid = (t4 // rows_per_step,)
    r = rows_per_step
    row_spec = pl.BlockSpec((r,), lambda i: (i,))
    outs = pl.pallas_call(
        _final_body,
        grid=grid,
        in_specs=[
            pl.BlockSpec((r * QS * PTAGS,), lambda i: (i,)),
            pl.BlockSpec((TAGS,), lambda i: (0,)),
        ] + [row_spec] * 4,
        out_specs=[row_spec, pl.BlockSpec(memory_space=pltpu.SMEM)],
        out_shape=[jax.ShapeDtypeStruct((t4,), jnp.int32),
                   jax.ShapeDtypeStruct((1, 1), jnp.float32)],
        scratch_shapes=[pltpu.SMEM((2,), jnp.float32)],
        compiler_params=pltpu.CompilerParams(
            dimension_semantics=("arbitrary",)),
        interpret=interpret,
    )(plog1d, b, *ml_strips)
    return outs[0], outs[1]



def kernel(token_ids, mask, labels, table, W, b):
    bsz, seq = token_ids.shape
    t = bsz * seq
    t4 = t // QS
    vocab, embd = table.shape
    slab = QS * VR
    grid_n = -(-vocab // slab)

    table_t = table.T

    wt = W.T
    wpad = jnp.pad(wt, ((0, 0), (0, PTAGS - TAGS)))
    eye = jnp.eye(QS, dtype=wpad.dtype)
    mcat = jnp.einsum("ec,qp->qepc", wpad, eye).reshape(
        QS * EMBD, QS * PTAGS)

    p = _project(table_t, mcat, grid_n)
    p_flat = p.reshape(grid_n * slab, PTAGS)

    i = token_ids // slab
    rem = token_ids - i * slab
    q = rem // VR
    rr = rem - q * VR
    idx = (i * VR + rr) * QS + q
    idx3d = idx.reshape(NW, t // (NW * CHUNK), CHUNK)

    plog = _sc_gather(idx3d, p_flat, t)
    plog1d = plog.reshape(t * PTAGS)

    ml_flat = (mask * 32 + labels).reshape(t).astype(jnp.int32)
    ml_strips = tuple(lax.slice(ml_flat, (qq * t4,), ((qq + 1) * t4,))
                      for qq in range(QS))

    pp, loss = _finalize(plog1d, b, ml_strips)
    pred = (pp[None, :] >> (5 * jnp.arange(QS, dtype=jnp.int32))[:, None]
            ) & 31
    return pred.reshape(bsz, seq), loss[0, 0]

# --- scband reference (transcript-rebuilt; emitter-appended) ---
"""Pipeline reference for scband-lstmcrfmodel-86689619903493 (READ-ONLY COPY).

The authoritative reference and input builder live on the scoring server;
editing this copy changes nothing except your own understanding.
"""

import jax, jax.numpy as jnp
import numpy as np

VOCAB = 1000000
EMB = 64
NUM_TAGS = 20
B, L = 1024, 200


def setup_inputs(seed: int = 0) -> dict:
    key = jax.random.key(seed)
    k1, k2, k3, k4, k5 = jax.random.split(key, 5)
    token_ids = jax.random.randint(k1, (B, L), 0, VOCAB)
    mask = jax.random.randint(k2, (B, L), 0, 2)
    labels = jax.random.randint(k3, (B, L), 0, NUM_TAGS)
    # learned params (dropout is identity in eval; LSTM unused in forward)
    table = jax.random.normal(k4, (VOCAB, EMB), dtype=jnp.float32) * 0.02
    W = jax.random.normal(k5, (NUM_TAGS, EMB), dtype=jnp.float32) * 0.05
    b = jnp.zeros((NUM_TAGS,), dtype=jnp.float32)
    return {"token_ids": token_ids, "mask": mask, "labels": labels,
            "table": table, "W": W, "b": b}


def reference(token_ids, mask, labels, table, W, b):
    # StaticEmbedding lookup (dropout = identity at eval time)
    emb = jnp.take(table, token_ids, axis=0)            # [B, L, EMB]
    out = emb @ W.T + b                                  # [B, L, NUM_TAGS]
    pred = jnp.argmax(out, axis=-1)                      # [B, L]
    # labels[mask == 0] = -1
    labels_m = jnp.where(mask == 0, -1, labels)
    logits = out.reshape(-1, NUM_TAGS)
    lab = labels_m.reshape(-1)
    valid = lab != -1
    logp = jax.nn.log_softmax(logits, axis=-1)
    safe_lab = jnp.where(valid, lab, 0)
    nll = -jnp.take_along_axis(logp, safe_lab[:, None], axis=1)[:, 0]
    denom = jnp.maximum(jnp.sum(valid.astype(jnp.float32)), 1.0)
    loss = jnp.sum(jnp.where(valid, nll, 0.0)) / denom   # F.cross_entropy ignore_index=-1
    return pred, loss

if __name__ == "__main__":
    import jax
    _d = setup_inputs()
    print(jax.jit(kernel)(*tuple(_d.values())))

</pallas_src>

<mosaic_0001>
#map = affine_map<(d0, d1) -> (0, 0, 0)>
#map1 = affine_map<(d0, d1) -> (0, 0)>
module attributes {stable_mosaic.version = 14 : i64} {
  func.func @_sc_gather_body(%arg0: i32, %arg1: i32, %arg2: memref<32x50x128xi32, #tpu.memory_space<hbm>>, %arg3: memref<1015808x32xf32, #tpu.memory_space<hbm>>, %arg4: memref<51200x4x32xf32, #tpu.memory_space<hbm>>, %arg5: memref<50x128xi32, #tpu.memory_space<vmem>>, %arg6: memref<128x32xf32, #tpu.memory_space<vmem>>, %arg7: memref<128x32xf32, #tpu.memory_space<vmem>>, %arg8: memref<128x32xf32, #tpu.memory_space<vmem>>, %arg9: memref<128x32xf32, #tpu.memory_space<vmem>>, %arg10: memref<128x32xf32, #tpu.memory_space<vmem>>, %arg11: memref<!tpu.dma_semaphore, #tpu.memory_space<semaphore_mem>>, %arg12: memref<!tpu.dma_semaphore, #tpu.memory_space<semaphore_mem>>, %arg13: memref<!tpu.dma_semaphore, #tpu.memory_space<semaphore_mem>>, %arg14: memref<!tpu.dma_semaphore, #tpu.memory_space<semaphore_mem>>, %arg15: memref<!tpu.dma_semaphore, #tpu.memory_space<semaphore_mem>>, %arg16: memref<!tpu.dma_semaphore, #tpu.memory_space<semaphore_mem>>, %arg17: memref<!tpu.dma_semaphore, #tpu.memory_space<semaphore_mem>>, %arg18: memref<!tpu.dma_semaphore, #tpu.memory_space<semaphore_mem>>, %arg19: memref<!tpu.dma_semaphore, #tpu.memory_space<semaphore_mem>>, %arg20: memref<!tpu.dma_semaphore, #tpu.memory_space<semaphore_mem>>) attributes {dimension_semantics = [#tpu.dimension_semantics<core_parallel>, #tpu.dimension_semantics<subcore_parallel>], iteration_bounds = array<i64: 2, 16>, scalar_prefetch = 0 : i64, scratch_operands = 16 : i64, tpu.core_type = #tpu.core_type<sc_vector_subcore>, window_params = [{transform_indices = #map}, {transform_indices = #map1}, {transform_indices = #map}]} {
    %mul3A = arith.constant 2 : i32
    %mul3A_0 = arith.muli %arg1, %mul3A : i32
    %add3A = arith.addi %mul3A_0, %arg0 : i32
    %mul3A_1 = arith.constant 50 : i32
    %mul3A_2 = arith.muli %add3A, %mul3A_1 : i32
    "tpu.region"() ({
      %run_scoped3A = tpu.sem_alloc : memref<!tpu.dma_semaphore, #tpu.memory_space<semaphore_mem>>
      %dma_start3A_297 = arith.constant 0 : i32
      %dma_start3A_298 = arith.constant 0 : i32
      %dma_start3A_299 = tpu.memref_slice %arg2[%add3A, %dma_start3A_297, %dma_start3A_298] : memref<32x50x128xi32, #tpu.memory_space<hbm>> -> memref<1x50x128xi32, #tpu.memory_space<hbm>>
      %dma_start3A_300 = tpu.memref_squeeze %dma_start3A_299 : memref<1x50x128xi32, #tpu.memory_space<hbm>> -> memref<50x128xi32, #tpu.memory_space<hbm>>
      %dma_start3A_301 = arith.constant 0 : i32
      %dma_start3A_302 = arith.constant 0 : i32
      %dma_start3A_303 = tpu.memref_slice %arg2[%add3A, %dma_start3A_301, %dma_start3A_302] : memref<32x50x128xi32, #tpu.memory_space<hbm>> -> memref<1x50x128xi32, #tpu.memory_space<hbm>>
      %dma_start3A_304 = tpu.memref_squeeze %dma_start3A_303 : memref<1x50x128xi32, #tpu.memory_space<hbm>> -> memref<50x128xi32, #tpu.memory_space<hbm>>
      tpu.enqueue_dma source(%dma_start3A_304 : memref<50x128xi32, #tpu.memory_space<hbm>>) target(%arg5 : memref<50x128xi32, #tpu.memory_space<vmem>>) target_semaphore(%run_scoped3A : memref<!tpu.dma_semaphore, #tpu.memory_space<semaphore_mem>>)
      %dma_wait3A_305 = arith.constant 0 : i32
      %dma_wait3A_306 = arith.constant 0 : i32
      %dma_wait3A_307 = tpu.memref_slice %arg2[%add3A, %dma_wait3A_305, %dma_wait3A_306] : memref<32x50x128xi32, #tpu.memory_space<hbm>> -> memref<1x50x128xi32, #tpu.memory_space<hbm>>
      %dma_wait3A_308 = tpu.memref_squeeze %dma_wait3A_307 : memref<1x50x128xi32, #tpu.memory_space<hbm>> -> memref<50x128xi32, #tpu.memory_space<hbm>>
      %dma_wait3A_309 = arith.constant 0 : i32
      %dma_wait3A_310 = arith.constant 0 : i32
      %dma_wait3A_311 = tpu.memref_slice %arg2[%add3A, %dma_wait3A_309, %dma_wait3A_310] : memref<32x50x128xi32, #tpu.memory_space<hbm>> -> memref<1x50x128xi32, #tpu.memory_space<hbm>>
      %dma_wait3A_312 = tpu.memref_squeeze %dma_wait3A_311 : memref<1x50x128xi32, #tpu.memory_space<hbm>> -> memref<50x128xi32, #tpu.memory_space<hbm>>
      tpu.wait_dma2 semaphore(%run_scoped3A : memref<!tpu.dma_semaphore, #tpu.memory_space<semaphore_mem>>) src(%dma_wait3A_312 : memref<50x128xi32, #tpu.memory_space<hbm>>) dst(%arg5 : memref<50x128xi32, #tpu.memory_space<vmem>>)
      tpu.yield
    }) : () -> ()
    %dma_start3A = arith.constant 0 : i32
    %dma_start3A_3 = arith.constant 0 : i32
    %dma_start3A_4 = tpu.memref_slice %arg5[%dma_start3A, %dma_start3A_3] : memref<50x128xi32, #tpu.memory_space<vmem>> -> memref<1x128xi32, #tpu.memory_space<vmem>>
    %dma_start3A_5 = tpu.memref_squeeze %dma_start3A_4 : memref<1x128xi32, #tpu.memory_space<vmem>> -> memref<128xi32, #tpu.memory_space<vmem>>
    %dma_start3A_6 = arith.constant 0 : i32
    %dma_start3A_7 = arith.constant 0 : i32
    %dma_start3A_8 = tpu.memref_slice %arg3[%dma_start3A_6, %dma_start3A_7] : memref<1015808x32xf32, #tpu.memory_space<hbm>> -> memref<1015808x32xf32, #tpu.memory_space<hbm>>
    tpu.enqueue_indirect_dma source(%dma_start3A_8 : memref<1015808x32xf32, #tpu.memory_space<hbm>>) target(%arg6 : memref<128x32xf32, #tpu.memory_space<vmem>>) offsets(%dma_start3A_5 : memref<128xi32, #tpu.memory_space<vmem>>) semaphore(%arg11 : memref<!tpu.dma_semaphore, #tpu.memory_space<semaphore_mem>>)
    %dma_start3A_9 = arith.constant 1 : i32
    %dma_start3A_10 = arith.constant 0 : i32
    %dma_start3A_11 = tpu.memref_slice %arg5[%dma_start3A_9, %dma_start3A_10] : memref<50x128xi32, #tpu.memory_space<vmem>> -> memref<1x128xi32, #tpu.memory_space<vmem>>
    %dma_start3A_12 = tpu.memref_squeeze %dma_start3A_11 : memref<1x128xi32, #tpu.memory_space<vmem>> -> memref<128xi32, #tpu.memory_space<vmem>>
    %dma_start3A_13 = arith.constant 0 : i32
    %dma_start3A_14 = arith.constant 0 : i32
    %dma_start3A_15 = tpu.memref_slice %arg3[%dma_start3A_13, %dma_start3A_14] : memref<1015808x32xf32, #tpu.memory_space<hbm>> -> memref<1015808x32xf32, #tpu.memory_space<hbm>>
    tpu.enqueue_indirect_dma source(%dma_start3A_15 : memref<1015808x32xf32, #tpu.memory_space<hbm>>) target(%arg7 : memref<128x32xf32, #tpu.memory_space<vmem>>) offsets(%dma_start3A_12 : memref<128xi32, #tpu.memory_space<vmem>>) semaphore(%arg12 : memref<!tpu.dma_semaphore, #tpu.memory_space<semaphore_mem>>)
    %dma_start3A_16 = arith.constant 2 : i32
    %dma_start3A_17 = arith.constant 0 : i32
    %dma_start3A_18 = tpu.memref_slice %arg5[%dma_start3A_16, %dma_start3A_17] : memref<50x128xi32, #tpu.memory_space<vmem>> -> memref<1x128xi32, #tpu.memory_space<vmem>>
    %dma_start3A_19 = tpu.memref_squeeze %dma_start3A_18 : memref<1x128xi32, #tpu.memory_space<vmem>> -> memref<128xi32, #tpu.memory_space<vmem>>
    %dma_start3A_20 = arith.constant 0 : i32
    %dma_start3A_21 = arith.constant 0 : i32
    %dma_start3A_22 = tpu.memref_slice %arg3[%dma_start3A_20, %dma_start3A_21] : memref<1015808x32xf32, #tpu.memory_space<hbm>> -> memref<1015808x32xf32, #tpu.memory_space<hbm>>
    tpu.enqueue_indirect_dma source(%dma_start3A_22 : memref<1015808x32xf32, #tpu.memory_space<hbm>>) target(%arg8 : memref<128x32xf32, #tpu.memory_space<vmem>>) offsets(%dma_start3A_19 : memref<128xi32, #tpu.memory_space<vmem>>) semaphore(%arg13 : memref<!tpu.dma_semaphore, #tpu.memory_space<semaphore_mem>>)
    %dma_start3A_23 = arith.constant 3 : i32
    %dma_start3A_24 = arith.constant 0 : i32
    %dma_start3A_25 = tpu.memref_slice %arg5[%dma_start3A_23, %dma_start3A_24] : memref<50x128xi32, #tpu.memory_space<vmem>> -> memref<1x128xi32, #tpu.memory_space<vmem>>
    %dma_start3A_26 = tpu.memref_squeeze %dma_start3A_25 : memref<1x128xi32, #tpu.memory_space<vmem>> -> memref<128xi32, #tpu.memory_space<vmem>>
    %dma_start3A_27 = arith.constant 0 : i32
    %dma_start3A_28 = arith.constant 0 : i32
    %dma_start3A_29 = tpu.memref_slice %arg3[%dma_start3A_27, %dma_start3A_28] : memref<1015808x32xf32, #tpu.memory_space<hbm>> -> memref<1015808x32xf32, #tpu.memory_space<hbm>>
    tpu.enqueue_indirect_dma source(%dma_start3A_29 : memref<1015808x32xf32, #tpu.memory_space<hbm>>) target(%arg9 : memref<128x32xf32, #tpu.memory_space<vmem>>) offsets(%dma_start3A_26 : memref<128xi32, #tpu.memory_space<vmem>>) semaphore(%arg14 : memref<!tpu.dma_semaphore, #tpu.memory_space<semaphore_mem>>)
    %dma_start3A_30 = arith.constant 4 : i32
    %dma_start3A_31 = arith.constant 0 : i32
    %dma_start3A_32 = tpu.memref_slice %arg5[%dma_start3A_30, %dma_start3A_31] : memref<50x128xi32, #tpu.memory_space<vmem>> -> memref<1x128xi32, #tpu.memory_space<vmem>>
    %dma_start3A_33 = tpu.memref_squeeze %dma_start3A_32 : memref<1x128xi32, #tpu.memory_space<vmem>> -> memref<128xi32, #tpu.memory_space<vmem>>
    %dma_start3A_34 = arith.constant 0 : i32
    %dma_start3A_35 = arith.constant 0 : i32
    %dma_start3A_36 = tpu.memref_slice %arg3[%dma_start3A_34, %dma_start3A_35] : memref<1015808x32xf32, #tpu.memory_space<hbm>> -> memref<1015808x32xf32, #tpu.memory_space<hbm>>
    tpu.enqueue_indirect_dma source(%dma_start3A_36 : memref<1015808x32xf32, #tpu.memory_space<hbm>>) target(%arg10 : memref<128x32xf32, #tpu.memory_space<vmem>>) offsets(%dma_start3A_33 : memref<128xi32, #tpu.memory_space<vmem>>) semaphore(%arg15 : memref<!tpu.dma_semaphore, #tpu.memory_space<semaphore_mem>>)
    %scan3A = arith.constant 0 : i32
    %scan3A_37 = arith.constant 9 : i32
    %scan3A_38 = arith.addi %scan3A, %scan3A_37 : i32
    %scan3A_39 = arith.constant 1 : i32
    scf.for %scan3A_297 = %scan3A to %scan3A_38 step %scan3A_39  : i32 {
      %mul3A_298 = arith.constant 1 : i32
      %mul3A_299 = arith.muli %scan3A_297, %mul3A_298 : i32
      %add3A_300 = arith.constant 0 : i32
      %add3A_301 = arith.addi %add3A_300, %mul3A_299 : i32
      %mul3A_302 = arith.constant 5 : i32
      %mul3A_303 = arith.muli %add3A_301, %mul3A_302 : i32
      %add3A_304 = arith.constant 0 : i32
      %add3A_305 = arith.addi %mul3A_303, %add3A_304 : i32
      %dma_wait3A_306 = arith.constant 0 : i32
      %dma_wait3A_307 = arith.constant 0 : i32
      %dma_wait3A_308 = tpu.memref_slice %arg5[%dma_wait3A_306, %dma_wait3A_307] : memref<50x128xi32, #tpu.memory_space<vmem>> -> memref<1x128xi32, #tpu.memory_space<vmem>>
      %dma_wait3A_309 = tpu.memref_squeeze %dma_wait3A_308 : memref<1x128xi32, #tpu.memory_space<vmem>> -> memref<128xi32, #tpu.memory_space<vmem>>
      %dma_wait3A_310 = arith.constant 0 : i32
      %dma_wait3A_311 = arith.constant 0 : i32
      %dma_wait3A_312 = tpu.memref_slice %arg3[%dma_wait3A_310, %dma_wait3A_311] : memref<1015808x32xf32, #tpu.memory_space<hbm>> -> memref<1015808x32xf32, #tpu.memory_space<hbm>>
      tpu.wait_indirect_dma semaphore(%arg11 : memref<!tpu.dma_semaphore, #tpu.memory_space<semaphore_mem>>) src(%dma_wait3A_312 : memref<1015808x32xf32, #tpu.memory_space<hbm>>) dst(%arg6 : memref<128x32xf32, #tpu.memory_space<vmem>>)
      %add3A_313 = arith.addi %mul3A_2, %add3A_305 : i32
      %jit3A_314 = arith.constant 400 : i32
      %div3A_315 = arith.divsi %add3A_313, %jit3A_314 : i32
      %sign3A_316 = arith.constant 0 : i32
      %sign3A_317 = arith.cmpi sgt, %add3A_313, %sign3A_316 : i32
      %sign3A_318 = arith.extui %sign3A_317 : i1 to i32
      %sign3A_319 = arith.constant 0 : i32
      %sign3A_320 = arith.cmpi slt, %add3A_313, %sign3A_319 : i32
      %sign3A_321 = arith.extui %sign3A_320 : i1 to i32
      %sign3A_322 = arith.subi %sign3A_318, %sign3A_321 : i32
      %sign3A_323 = arith.constant 0 : i32
      %sign3A_324 = arith.cmpi sgt, %jit3A_314, %sign3A_323 : i32
      %sign3A_325 = arith.extui %sign3A_324 : i1 to i32
      %sign3A_326 = arith.constant 0 : i32
      %sign3A_327 = arith.cmpi slt, %jit3A_314, %sign3A_326 : i32
      %sign3A_328 = arith.extui %sign3A_327 : i1 to i32
      %sign3A_329 = arith.subi %sign3A_325, %sign3A_328 : i32
      %ne3A_330 = arith.cmpi ne, %sign3A_322, %sign3A_329 : i32
      %rem3A_331 = arith.remsi %add3A_313, %jit3A_314 : i32
      %ne3A_332 = arith.constant 0 : i32
      %ne3A_333 = arith.cmpi ne, %rem3A_331, %ne3A_332 : i32
      %and3A_334 = arith.andi %ne3A_330, %ne3A_333 : i1
      %sub3A_335 = arith.constant 1 : i32
      %sub3A_336 = arith.subi %div3A_315, %sub3A_335 : i32
      %select_n3A_337 = arith.select %and3A_334, %sub3A_336, %div3A_315 : i32
      %mul3A_338 = arith.constant 400 : i32
      %mul3A_339 = arith.muli %select_n3A_337, %mul3A_338 : i32
      %sub3A_340 = arith.subi %add3A_313, %mul3A_339 : i32
      %mul3A_341 = arith.constant 128 : i32
      %mul3A_342 = arith.muli %sub3A_340, %mul3A_341 : i32
      %dma_start3A_343 = arith.constant 0 : i32
      %dma_start3A_344 = tpu.memref_slice %arg4[%mul3A_342, %select_n3A_337, %dma_start3A_343] : memref<51200x4x32xf32, #tpu.memory_space<hbm>> -> memref<128x1x32xf32, #tpu.memory_space<hbm>>
      %dma_start3A_345 = tpu.memref_squeeze %dma_start3A_344 : memref<128x1x32xf32, #tpu.memory_space<hbm>> -> memref<128x32xf32, #tpu.memory_space<hbm>>
      %dma_start3A_346 = arith.constant 0 : i32
      %dma_start3A_347 = tpu.memref_slice %arg4[%mul3A_342, %select_n3A_337, %dma_start3A_346] : memref<51200x4x32xf32, #tpu.memory_space<hbm>> -> memref<128x1x32xf32, #tpu.memory_space<hbm>>
      %dma_start3A_348 = tpu.memref_squeeze %dma_start3A_347 : memref<128x1x32xf32, #tpu.memory_space<hbm>> -> memref<128x32xf32, #tpu.memory_space<hbm>>
      tpu.enqueue_dma source(%arg6 : memref<128x32xf32, #tpu.memory_space<vmem>>) target(%dma_start3A_348 : memref<128x32xf32, #tpu.memory_space<hbm>>) target_semaphore(%arg16 : memref<!tpu.dma_semaphore, #tpu.memory_space<semaphore_mem>>)
      %dma_wait3A_349 = arith.constant 0 : i32
      %dma_wait3A_350 = arith.constant 0 : i32
      %dma_wait3A_351 = arith.constant 0 : i32
      %dma_wait3A_352 = tpu.memref_slice %arg4[%dma_wait3A_350, %dma_wait3A_349, %dma_wait3A_351] : memref<51200x4x32xf32, #tpu.memory_space<hbm>> -> memref<128x1x32xf32, #tpu.memory_space<hbm>>
      %dma_wait3A_353 = tpu.memref_squeeze %dma_wait3A_352 : memref<128x1x32xf32, #tpu.memory_space<hbm>> -> memref<128x32xf32, #tpu.memory_space<hbm>>
      %dma_wait3A_354 = arith.constant 0 : i32
      %dma_wait3A_355 = arith.constant 0 : i32
      %dma_wait3A_356 = tpu.memref_slice %arg4[%dma_wait3A_354, %dma_wait3A_349, %dma_wait3A_355] : memref<51200x4x32xf32, #tpu.memory_space<hbm>> -> memref<128x1x32xf32, #tpu.memory_space<hbm>>
      %dma_wait3A_357 = tpu.memref_squeeze %dma_wait3A_356 : memref<128x1x32xf32, #tpu.memory_space<hbm>> -> memref<128x32xf32, #tpu.memory_space<hbm>>
      tpu.wait_dma2 semaphore(%arg16 : memref<!tpu.dma_semaphore, #tpu.memory_space<semaphore_mem>>) src(%arg6 : memref<128x32xf32, #tpu.memory_space<vmem>>) dst(%dma_wait3A_357 : memref<128x32xf32, #tpu.memory_space<hbm>>)
      %add3A_358 = arith.constant 5 : i32
      %add3A_359 = arith.addi %add3A_305, %add3A_358 : i32
      %dma_start3A_360 = arith.constant 0 : i32
      %dma_start3A_361 = tpu.memref_slice %arg5[%add3A_359, %dma_start3A_360] : memref<50x128xi32, #tpu.memory_space<vmem>> -> memref<1x128xi32, #tpu.memory_space<vmem>>
      %dma_start3A_362 = tpu.memref_squeeze %dma_start3A_361 : memref<1x128xi32, #tpu.memory_space<vmem>> -> memref<128xi32, #tpu.memory_space<vmem>>
      %dma_start3A_363 = arith.constant 0 : i32
      %dma_start3A_364 = arith.constant 0 : i32
      %dma_start3A_365 = tpu.memref_slice %arg3[%dma_start3A_363, %dma_start3A_364] : memref<1015808x32xf32, #tpu.memory_space<hbm>> -> memref<1015808x32xf32, #tpu.memory_space<hbm>>
      tpu.enqueue_indirect_dma source(%dma_start3A_365 : memref<1015808x32xf32, #tpu.memory_space<hbm>>) target(%arg6 : memref<128x32xf32, #tpu.memory_space<vmem>>) offsets(%dma_start3A_362 : memref<128xi32, #tpu.memory_space<vmem>>) semaphore(%arg11 : memref<!tpu.dma_semaphore, #tpu.memory_space<semaphore_mem>>)
      %mul3A_366 = arith.constant 5 : i32
      %mul3A_367 = arith.muli %add3A_301, %mul3A_366 : i32
      %add3A_368 = arith.constant 1 : i32
      %add3A_369 = arith.addi %mul3A_367, %add3A_368 : i32
      %dma_wait3A_370 = arith.constant 0 : i32
      %dma_wait3A_371 = arith.constant 0 : i32
      %dma_wait3A_372 = tpu.memref_slice %arg5[%dma_wait3A_370, %dma_wait3A_371] : memref<50x128xi32, #tpu.memory_space<vmem>> -> memref<1x128xi32, #tpu.memory_space<vmem>>
      %dma_wait3A_373 = tpu.memref_squeeze %dma_wait3A_372 : memref<1x128xi32, #tpu.memory_space<vmem>> -> memref<128xi32, #tpu.memory_space<vmem>>
      %dma_wait3A_374 = arith.constant 0 : i32
      %dma_wait3A_375 = arith.constant 0 : i32
      %dma_wait3A_376 = tpu.memref_slice %arg3[%dma_wait3A_374, %dma_wait3A_375] : memref<1015808x32xf32, #tpu.memory_space<hbm>> -> memref<1015808x32xf32, #tpu.memory_space<hbm>>
      tpu.wait_indirect_dma semaphore(%arg12 : memref<!tpu.dma_semaphore, #tpu.memory_space<semaphore_mem>>) src(%dma_wait3A_376 : memref<1015808x32xf32, #tpu.memory_space<hbm>>) dst(%arg7 : memref<128x32xf32, #tpu.memory_space<vmem>>)
      %add3A_377 = arith.addi %mul3A_2, %add3A_369 : i32
      %jit3A_378 = arith.constant 400 : i32
      %div3A_379 = arith.divsi %add3A_377, %jit3A_378 : i32
      %sign3A_380 = arith.constant 0 : i32
      %sign3A_381 = arith.cmpi sgt, %add3A_377, %sign3A_380 : i32
      %sign3A_382 = arith.extui %sign3A_381 : i1 to i32
      %sign3A_383 = arith.constant 0 : i32
      %sign3A_384 = arith.cmpi slt, %add3A_377, %sign3A_383 : i32
      %sign3A_385 = arith.extui %sign3A_384 : i1 to i32
      %sign3A_386 = arith.subi %sign3A_382, %sign3A_385 : i32
      %sign3A_387 = arith.constant 0 : i32
      %sign3A_388 = arith.cmpi sgt, %jit3A_378, %sign3A_387 : i32
      %sign3A_389 = arith.extui %sign3A_388 : i1 to i32
      %sign3A_390 = arith.constant 0 : i32
      %sign3A_391 = arith.cmpi slt, %jit3A_378, %sign3A_390 : i32
      %sign3A_392 = arith.extui %sign3A_391 : i1 to i32
      %sign3A_393 = arith.subi %sign3A_389, %sign3A_392 : i32
      %ne3A_394 = arith.cmpi ne, %sign3A_386, %sign3A_393 : i32
      %rem3A_395 = arith.remsi %add3A_377, %jit3A_378 : i32
      %ne3A_396 = arith.constant 0 : i32
      %ne3A_397 = arith.cmpi ne, %rem3A_395, %ne3A_396 : i32
      %and3A_398 = arith.andi %ne3A_394, %ne3A_397 : i1
      %sub3A_399 = arith.constant 1 : i32
      %sub3A_400 = arith.subi %div3A_379, %sub3A_399 : i32
      %select_n3A_401 = arith.select %and3A_398, %sub3A_400, %div3A_379 : i32
      %mul3A_402 = arith.constant 400 : i32
      %mul3A_403 = arith.muli %select_n3A_401, %mul3A_402 : i32
      %sub3A_404 = arith.subi %add3A_377, %mul3A_403 : i32
      %mul3A_405 = arith.constant 128 : i32
      %mul3A_406 = arith.muli %sub3A_404, %mul3A_405 : i32
      %dma_start3A_407 = arith.constant 0 : i32
      %dma_start3A_408 = tpu.memref_slice %arg4[%mul3A_406, %select_n3A_401, %dma_start3A_407] : memref<51200x4x32xf32, #tpu.memory_space<hbm>> -> memref<128x1x32xf32, #tpu.memory_space<hbm>>
      %dma_start3A_409 = tpu.memref_squeeze %dma_start3A_408 : memref<128x1x32xf32, #tpu.memory_space<hbm>> -> memref<128x32xf32, #tpu.memory_space<hbm>>
      %dma_start3A_410 = arith.constant 0 : i32
      %dma_start3A_411 = tpu.memref_slice %arg4[%mul3A_406, %select_n3A_401, %dma_start3A_410] : memref<51200x4x32xf32, #tpu.memory_space<hbm>> -> memref<128x1x32xf32, #tpu.memory_space<hbm>>
      %dma_start3A_412 = tpu.memref_squeeze %dma_start3A_411 : memref<128x1x32xf32, #tpu.memory_space<hbm>> -> memref<128x32xf32, #tpu.memory_space<hbm>>
      tpu.enqueue_dma source(%arg7 : memref<128x32xf32, #tpu.memory_space<vmem>>) target(%dma_start3A_412 : memref<128x32xf32, #tpu.memory_space<hbm>>) target_semaphore(%arg17 : memref<!tpu.dma_semaphore, #tpu.memory_space<semaphore_mem>>)
      %dma_wait3A_413 = arith.constant 0 : i32
      %dma_wait3A_414 = arith.constant 0 : i32
      %dma_wait3A_415 = arith.constant 0 : i32
      %dma_wait3A_416 = tpu.memref_slice %arg4[%dma_wait3A_414, %dma_wait3A_413, %dma_wait3A_415] : memref<51200x4x32xf32, #tpu.memory_space<hbm>> -> memref<128x1x32xf32, #tpu.memory_space<hbm>>
      %dma_wait3A_417 = tpu.memref_squeeze %dma_wait3A_416 : memref<128x1x32xf32, #tpu.memory_space<hbm>> -> memref<128x32xf32, #tpu.memory_space<hbm>>
      %dma_wait3A_418 = arith.constant 0 : i32
      %dma_wait3A_419 = arith.constant 0 : i32
      %dma_wait3A_420 = tpu.memref_slice %arg4[%dma_wait3A_418, %dma_wait3A_413, %dma_wait3A_419] : memref<51200x4x32xf32, #tpu.memory_space<hbm>> -> memref<128x1x32xf32, #tpu.memory_space<hbm>>
      %dma_wait3A_421 = tpu.memref_squeeze %dma_wait3A_420 : memref<128x1x32xf32, #tpu.memory_space<hbm>> -> memref<128x32xf32, #tpu.memory_space<hbm>>
      tpu.wait_dma2 semaphore(%arg17 : memref<!tpu.dma_semaphore, #tpu.memory_space<semaphore_mem>>) src(%arg7 : memref<128x32xf32, #tpu.memory_space<vmem>>) dst(%dma_wait3A_421 : memref<128x32xf32, #tpu.memory_space<hbm>>)
      %add3A_422 = arith.constant 5 : i32
      %add3A_423 = arith.addi %add3A_369, %add3A_422 : i32
      %dma_start3A_424 = arith.constant 0 : i32
      %dma_start3A_425 = tpu.memref_slice %arg5[%add3A_423, %dma_start3A_424] : memref<50x128xi32, #tpu.memory_space<vmem>> -> memref<1x128xi32, #tpu.memory_space<vmem>>
      %dma_start3A_426 = tpu.memref_squeeze %dma_start3A_425 : memref<1x128xi32, #tpu.memory_space<vmem>> -> memref<128xi32, #tpu.memory_space<vmem>>
      %dma_start3A_427 = arith.constant 0 : i32
      %dma_start3A_428 = arith.constant 0 : i32
      %dma_start3A_429 = tpu.memref_slice %arg3[%dma_start3A_427, %dma_start3A_428] : memref<1015808x32xf32, #tpu.memory_space<hbm>> -> memref<1015808x32xf32, #tpu.memory_space<hbm>>
      tpu.enqueue_indirect_dma source(%dma_start3A_429 : memref<1015808x32xf32, #tpu.memory_space<hbm>>) target(%arg7 : memref<128x32xf32, #tpu.memory_space<vmem>>) offsets(%dma_start3A_426 : memref<128xi32, #tpu.memory_space<vmem>>) semaphore(%arg12 : memref<!tpu.dma_semaphore, #tpu.memory_space<semaphore_mem>>)
      %mul3A_430 = arith.constant 5 : i32
      %mul3A_431 = arith.muli %add3A_301, %mul3A_430 : i32
      %add3A_432 = arith.constant 2 : i32
      %add3A_433 = arith.addi %mul3A_431, %add3A_432 : i32
      %dma_wait3A_434 = arith.constant 0 : i32
      %dma_wait3A_435 = arith.constant 0 : i32
      %dma_wait3A_436 = tpu.memref_slice %arg5[%dma_wait3A_434, %dma_wait3A_435] : memref<50x128xi32, #tpu.memory_space<vmem>> -> memref<1x128xi32, #tpu.memory_space<vmem>>
      %dma_wait3A_437 = tpu.memref_squeeze %dma_wait3A_436 : memref<1x128xi32, #tpu.memory_space<vmem>> -> memref<128xi32, #tpu.memory_space<vmem>>
      %dma_wait3A_438 = arith.constant 0 : i32
      %dma_wait3A_439 = arith.constant 0 : i32
      %dma_wait3A_440 = tpu.memref_slice %arg3[%dma_wait3A_438, %dma_wait3A_439] : memref<1015808x32xf32, #tpu.memory_space<hbm>> -> memref<1015808x32xf32, #tpu.memory_space<hbm>>
      tpu.wait_indirect_dma semaphore(%arg13 : memref<!tpu.dma_semaphore, #tpu.memory_space<semaphore_mem>>) src(%dma_wait3A_440 : memref<1015808x32xf32, #tpu.memory_space<hbm>>) dst(%arg8 : memref<128x32xf32, #tpu.memory_space<vmem>>)
      %add3A_441 = arith.addi %mul3A_2, %add3A_433 : i32
      %jit3A_442 = arith.constant 400 : i32
      %div3A_443 = arith.divsi %add3A_441, %jit3A_442 : i32
      %sign3A_444 = arith.constant 0 : i32
      %sign3A_445 = arith.cmpi sgt, %add3A_441, %sign3A_444 : i32
      %sign3A_446 = arith.extui %sign3A_445 : i1 to i32
      %sign3A_447 = arith.constant 0 : i32
      %sign3A_448 = arith.cmpi slt, %add3A_441, %sign3A_447 : i32
      %sign3A_449 = arith.extui %sign3A_448 : i1 to i32
      %sign3A_450 = arith.subi %sign3A_446, %sign3A_449 : i32
      %sign3A_451 = arith.constant 0 : i32
      %sign3A_452 = arith.cmpi sgt, %jit3A_442, %sign3A_451 : i32
      %sign3A_453 = arith.extui %sign3A_452 : i1 to i32
      %sign3A_454 = arith.constant 0 : i32
      %sign3A_455 = arith.cmpi slt, %jit3A_442, %sign3A_454 : i32
      %sign3A_456 = arith.extui %sign3A_455 : i1 to i32
      %sign3A_457 = arith.subi %sign3A_453, %sign3A_456 : i32
      %ne3A_458 = arith.cmpi ne, %sign3A_450, %sign3A_457 : i32
      %rem3A_459 = arith.remsi %add3A_441, %jit3A_442 : i32
      %ne3A_460 = arith.constant 0 : i32
      %ne3A_461 = arith.cmpi ne, %rem3A_459, %ne3A_460 : i32
      %and3A_462 = arith.andi %ne3A_458, %ne3A_461 : i1
      %sub3A_463 = arith.constant 1 : i32
      %sub3A_464 = arith.subi %div3A_443, %sub3A_463 : i32
      %select_n3A_465 = arith.select %and3A_462, %sub3A_464, %div3A_443 : i32
      %mul3A_466 = arith.constant 400 : i32
      %mul3A_467 = arith.muli %select_n3A_465, %mul3A_466 : i32
      %sub3A_468 = arith.subi %add3A_441, %mul3A_467 : i32
      %mul3A_469 = arith.constant 128 : i32
      %mul3A_470 = arith.muli %sub3A_468, %mul3A_469 : i32
      %dma_start3A_471 = arith.constant 0 : i32
      %dma_start3A_472 = tpu.memref_slice %arg4[%mul3A_470, %select_n3A_465, %dma_start3A_471] : memref<51200x4x32xf32, #tpu.memory_space<hbm>> -> memref<128x1x32xf32, #tpu.memory_space<hbm>>
      %dma_start3A_473 = tpu.memref_squeeze %dma_start3A_472 : memref<128x1x32xf32, #tpu.memory_space<hbm>> -> memref<128x32xf32, #tpu.memory_space<hbm>>
      %dma_start3A_474 = arith.constant 0 : i32
      %dma_start3A_475 = tpu.memref_slice %arg4[%mul3A_470, %select_n3A_465, %dma_start3A_474] : memref<51200x4x32xf32, #tpu.memory_space<hbm>> -> memref<128x1x32xf32, #tpu.memory_space<hbm>>
      %dma_start3A_476 = tpu.memref_squeeze %dma_start3A_475 : memref<128x1x32xf32, #tpu.memory_space<hbm>> -> memref<128x32xf32, #tpu.memory_space<hbm>>
      tpu.enqueue_dma source(%arg8 : memref<128x32xf32, #tpu.memory_space<vmem>>) target(%dma_start3A_476 : memref<128x32xf32, #tpu.memory_space<hbm>>) target_semaphore(%arg18 : memref<!tpu.dma_semaphore, #tpu.memory_space<semaphore_mem>>)
      %dma_wait3A_477 = arith.constant 0 : i32
      %dma_wait3A_478 = arith.constant 0 : i32
      %dma_wait3A_479 = arith.constant 0 : i32
      %dma_wait3A_480 = tpu.memref_slice %arg4[%dma_wait3A_478, %dma_wait3A_477, %dma_wait3A_479] : memref<51200x4x32xf32, #tpu.memory_space<hbm>> -> memref<128x1x32xf32, #tpu.memory_space<hbm>>
      %dma_wait3A_481 = tpu.memref_squeeze %dma_wait3A_480 : memref<128x1x32xf32, #tpu.memory_space<hbm>> -> memref<128x32xf32, #tpu.memory_space<hbm>>
      %dma_wait3A_482 = arith.constant 0 : i32
      %dma_wait3A_483 = arith.constant 0 : i32
      %dma_wait3A_484 = tpu.memref_slice %arg4[%dma_wait3A_482, %dma_wait3A_477, %dma_wait3A_483] : memref<51200x4x32xf32, #tpu.memory_space<hbm>> -> memref<128x1x32xf32, #tpu.memory_space<hbm>>
      %dma_wait3A_485 = tpu.memref_squeeze %dma_wait3A_484 : memref<128x1x32xf32, #tpu.memory_space<hbm>> -> memref<128x32xf32, #tpu.memory_space<hbm>>
      tpu.wait_dma2 semaphore(%arg18 : memref<!tpu.dma_semaphore, #tpu.memory_space<semaphore_mem>>) src(%arg8 : memref<128x32xf32, #tpu.memory_space<vmem>>) dst(%dma_wait3A_485 : memref<128x32xf32, #tpu.memory_space<hbm>>)
      %add3A_486 = arith.constant 5 : i32
      %add3A_487 = arith.addi %add3A_433, %add3A_486 : i32
      %dma_start3A_488 = arith.constant 0 : i32
      %dma_start3A_489 = tpu.memref_slice %arg5[%add3A_487, %dma_start3A_488] : memref<50x128xi32, #tpu.memory_space<vmem>> -> memref<1x128xi32, #tpu.memory_space<vmem>>
      %dma_start3A_490 = tpu.memref_squeeze %dma_start3A_489 : memref<1x128xi32, #tpu.memory_space<vmem>> -> memref<128xi32, #tpu.memory_space<vmem>>
      %dma_start3A_491 = arith.constant 0 : i32
      %dma_start3A_492 = arith.constant 0 : i32
      %dma_start3A_493 = tpu.memref_slice %arg3[%dma_start3A_491, %dma_start3A_492] : memref<1015808x32xf32, #tpu.memory_space<hbm>> -> memref<1015808x32xf32, #tpu.memory_space<hbm>>
      tpu.enqueue_indirect_dma source(%dma_start3A_493 : memref<1015808x32xf32, #tpu.memory_space<hbm>>) target(%arg8 : memref<128x32xf32, #tpu.memory_space<vmem>>) offsets(%dma_start3A_490 : memref<128xi32, #tpu.memory_space<vmem>>) semaphore(%arg13 : memref<!tpu.dma_semaphore, #tpu.memory_space<semaphore_mem>>)
      %mul3A_494 = arith.constant 5 : i32
      %mul3A_495 = arith.muli %add3A_301, %mul3A_494 : i32
      %add3A_496 = arith.constant 3 : i32
      %add3A_497 = arith.addi %mul3A_495, %add3A_496 : i32
      %dma_wait3A_498 = arith.constant 0 : i32
      %dma_wait3A_499 = arith.constant 0 : i32
      %dma_wait3A_500 = tpu.memref_slice %arg5[%dma_wait3A_498, %dma_wait3A_499] : memref<50x128xi32, #tpu.memory_space<vmem>> -> memref<1x128xi32, #tpu.memory_space<vmem>>
      %dma_wait3A_501 = tpu.memref_squeeze %dma_wait3A_500 : memref<1x128xi32, #tpu.memory_space<vmem>> -> memref<128xi32, #tpu.memory_space<vmem>>
      %dma_wait3A_502 = arith.constant 0 : i32
      %dma_wait3A_503 = arith.constant 0 : i32
      %dma_wait3A_504 = tpu.memref_slice %arg3[%dma_wait3A_502, %dma_wait3A_503] : memref<1015808x32xf32, #tpu.memory_space<hbm>> -> memref<1015808x32xf32, #tpu.memory_space<hbm>>
      tpu.wait_indirect_dma semaphore(%arg14 : memref<!tpu.dma_semaphore, #tpu.memory_space<semaphore_mem>>) src(%dma_wait3A_504 : memref<1015808x32xf32, #tpu.memory_space<hbm>>) dst(%arg9 : memref<128x32xf32, #tpu.memory_space<vmem>>)
      %add3A_505 = arith.addi %mul3A_2, %add3A_497 : i32
      %jit3A_506 = arith.constant 400 : i32
      %div3A_507 = arith.divsi %add3A_505, %jit3A_506 : i32
      %sign3A_508 = arith.constant 0 : i32
      %sign3A_509 = arith.cmpi sgt, %add3A_505, %sign3A_508 : i32
      %sign3A_510 = arith.extui %sign3A_509 : i1 to i32
      %sign3A_511 = arith.constant 0 : i32
      %sign3A_512 = arith.cmpi slt, %add3A_505, %sign3A_511 : i32
      %sign3A_513 = arith.extui %sign3A_512 : i1 to i32
      %sign3A_514 = arith.subi %sign3A_510, %sign3A_513 : i32
      %sign3A_515 = arith.constant 0 : i32
      %sign3A_516 = arith.cmpi sgt, %jit3A_506, %sign3A_515 : i32
      %sign3A_517 = arith.extui %sign3A_516 : i1 to i32
      %sign3A_518 = arith.constant 0 : i32
      %sign3A_519 = arith.cmpi slt, %jit3A_506, %sign3A_518 : i32
      %sign3A_520 = arith.extui %sign3A_519 : i1 to i32
      %sign3A_521 = arith.subi %sign3A_517, %sign3A_520 : i32
      %ne3A_522 = arith.cmpi ne, %sign3A_514, %sign3A_521 : i32
      %rem3A_523 = arith.remsi %add3A_505, %jit3A_506 : i32
      %ne3A_524 = arith.constant 0 : i32
      %ne3A_525 = arith.cmpi ne, %rem3A_523, %ne3A_524 : i32
      %and3A_526 = arith.andi %ne3A_522, %ne3A_525 : i1
      %sub3A_527 = arith.constant 1 : i32
      %sub3A_528 = arith.subi %div3A_507, %sub3A_527 : i32
      %select_n3A_529 = arith.select %and3A_526, %sub3A_528, %div3A_507 : i32
      %mul3A_530 = arith.constant 400 : i32
      %mul3A_531 = arith.muli %select_n3A_529, %mul3A_530 : i32
      %sub3A_532 = arith.subi %add3A_505, %mul3A_531 : i32
      %mul3A_533 = arith.constant 128 : i32
      %mul3A_534 = arith.muli %sub3A_532, %mul3A_533 : i32
      %dma_start3A_535 = arith.constant 0 : i32
      %dma_start3A_536 = tpu.memref_slice %arg4[%mul3A_534, %select_n3A_529, %dma_start3A_535] : memref<51200x4x32xf32, #tpu.memory_space<hbm>> -> memref<128x1x32xf32, #tpu.memory_space<hbm>>
      %dma_start3A_537 = tpu.memref_squeeze %dma_start3A_536 : memref<128x1x32xf32, #tpu.memory_space<hbm>> -> memref<128x32xf32, #tpu.memory_space<hbm>>
      %dma_start3A_538 = arith.constant 0 : i32
      %dma_start3A_539 = tpu.memref_slice %arg4[%mul3A_534, %select_n3A_529, %dma_start3A_538] : memref<51200x4x32xf32, #tpu.memory_space<hbm>> -> memref<128x1x32xf32, #tpu.memory_space<hbm>>
      %dma_start3A_540 = tpu.memref_squeeze %dma_start3A_539 : memref<128x1x32xf32, #tpu.memory_space<hbm>> -> memref<128x32xf32, #tpu.memory_space<hbm>>
      tpu.enqueue_dma source(%arg9 : memref<128x32xf32, #tpu.memory_space<vmem>>) target(%dma_start3A_540 : memref<128x32xf32, #tpu.memory_space<hbm>>) target_semaphore(%arg19 : memref<!tpu.dma_semaphore, #tpu.memory_space<semaphore_mem>>)
      %dma_wait3A_541 = arith.constant 0 : i32
      %dma_wait3A_542 = arith.constant 0 : i32
      %dma_wait3A_543 = arith.constant 0 : i32
      %dma_wait3A_544 = tpu.memref_slice %arg4[%dma_wait3A_542, %dma_wait3A_541, %dma_wait3A_543] : memref<51200x4x32xf32, #tpu.memory_space<hbm>> -> memref<128x1x32xf32, #tpu.memory_space<hbm>>
      %dma_wait3A_545 = tpu.memref_squeeze %dma_wait3A_544 : memref<128x1x32xf32, #tpu.memory_space<hbm>> -> memref<128x32xf32, #tpu.memory_space<hbm>>
      %dma_wait3A_546 = arith.constant 0 : i32
      %dma_wait3A_547 = arith.constant 0 : i32
      %dma_wait3A_548 = tpu.memref_slice %arg4[%dma_wait3A_546, %dma_wait3A_541, %dma_wait3A_547] : memref<51200x4x32xf32, #tpu.memory_space<hbm>> -> memref<128x1x32xf32, #tpu.memory_space<hbm>>
      %dma_wait3A_549 = tpu.memref_squeeze %dma_wait3A_548 : memref<128x1x32xf32, #tpu.memory_space<hbm>> -> memref<128x32xf32, #tpu.memory_space<hbm>>
      tpu.wait_dma2 semaphore(%arg19 : memref<!tpu.dma_semaphore, #tpu.memory_space<semaphore_mem>>) src(%arg9 : memref<128x32xf32, #tpu.memory_space<vmem>>) dst(%dma_wait3A_549 : memref<128x32xf32, #tpu.memory_space<hbm>>)
      %add3A_550 = arith.constant 5 : i32
      %add3A_551 = arith.addi %add3A_497, %add3A_550 : i32
      %dma_start3A_552 = arith.constant 0 : i32
      %dma_start3A_553 = tpu.memref_slice %arg5[%add3A_551, %dma_start3A_552] : memref<50x128xi32, #tpu.memory_space<vmem>> -> memref<1x128xi32, #tpu.memory_space<vmem>>
      %dma_start3A_554 = tpu.memref_squeeze %dma_start3A_553 : memref<1x128xi32, #tpu.memory_space<vmem>> -> memref<128xi32, #tpu.memory_space<vmem>>
      %dma_start3A_555 = arith.constant 0 : i32
      %dma_start3A_556 = arith.constant 0 : i32
      %dma_start3A_557 = tpu.memref_slice %arg3[%dma_start3A_555, %dma_start3A_556] : memref<1015808x32xf32, #tpu.memory_space<hbm>> -> memref<1015808x32xf32, #tpu.memory_space<hbm>>
      tpu.enqueue_indirect_dma source(%dma_start3A_557 : memref<1015808x32xf32, #tpu.memory_space<hbm>>) target(%arg9 : memref<128x32xf32, #tpu.memory_space<vmem>>) offsets(%dma_start3A_554 : memref<128xi32, #tpu.memory_space<vmem>>) semaphore(%arg14 : memref<!tpu.dma_semaphore, #tpu.memory_space<semaphore_mem>>)
      %mul3A_558 = arith.constant 5 : i32
      %mul3A_559 = arith.muli %add3A_301, %mul3A_558 : i32
      %add3A_560 = arith.constant 4 : i32
      %add3A_561 = arith.addi %mul3A_559, %add3A_560 : i32
      %dma_wait3A_562 = arith.constant 0 : i32
      %dma_wait3A_563 = arith.constant 0 : i32
      %dma_wait3A_564 = tpu.memref_slice %arg5[%dma_wait3A_562, %dma_wait3A_563] : memref<50x128xi32, #tpu.memory_space<vmem>> -> memref<1x128xi32, #tpu.memory_space<vmem>>
      %dma_wait3A_565 = tpu.memref_squeeze %dma_wait3A_564 : memref<1x128xi32, #tpu.memory_space<vmem>> -> memref<128xi32, #tpu.memory_space<vmem>>
      %dma_wait3A_566 = arith.constant 0 : i32
      %dma_wait3A_567 = arith.constant 0 : i32
      %dma_wait3A_568 = tpu.memref_slice %arg3[%dma_wait3A_566, %dma_wait3A_567] : memref<1015808x32xf32, #tpu.memory_space<hbm>> -> memref<1015808x32xf32, #tpu.memory_space<hbm>>
      tpu.wait_indirect_dma semaphore(%arg15 : memref<!tpu.dma_semaphore, #tpu.memory_space<semaphore_mem>>) src(%dma_wait3A_568 : memref<1015808x32xf32, #tpu.memory_space<hbm>>) dst(%arg10 : memref<128x32xf32, #tpu.memory_space<vmem>>)
      %add3A_569 = arith.addi %mul3A_2, %add3A_561 : i32
      %jit3A_570 = arith.constant 400 : i32
      %div3A_571 = arith.divsi %add3A_569, %jit3A_570 : i32
      %sign3A_572 = arith.constant 0 : i32
      %sign3A_573 = arith.cmpi sgt, %add3A_569, %sign3A_572 : i32
      %sign3A_574 = arith.extui %sign3A_573 : i1 to i32
      %sign3A_575 = arith.constant 0 : i32
      %sign3A_576 = arith.cmpi slt, %add3A_569, %sign3A_575 : i32
      %sign3A_577 = arith.extui %sign3A_576 : i1 to i32
      %sign3A_578 = arith.subi %sign3A_574, %sign3A_577 : i32
      %sign3A_579 = arith.constant 0 : i32
      %sign3A_580 = arith.cmpi sgt, %jit3A_570, %sign3A_579 : i32
      %sign3A_581 = arith.extui %sign3A_580 : i1 to i32
      %sign3A_582 = arith.constant 0 : i32
      %sign3A_583 = arith.cmpi slt, %jit3A_570, %sign3A_582 : i32
      %sign3A_584 = arith.extui %sign3A_583 : i1 to i32
      %sign3A_585 = arith.subi %sign3A_581, %sign3A_584 : i32
      %ne3A_586 = arith.cmpi ne, %sign3A_578, %sign3A_585 : i32
      %rem3A_587 = arith.remsi %add3A_569, %jit3A_570 : i32
      %ne3A_588 = arith.constant 0 : i32
      %ne3A_589 = arith.cmpi ne, %rem3A_587, %ne3A_588 : i32
      %and3A_590 = arith.andi %ne3A_586, %ne3A_589 : i1
      %sub3A_591 = arith.constant 1 : i32
      %sub3A_592 = arith.subi %div3A_571, %sub3A_591 : i32
      %select_n3A_593 = arith.select %and3A_590, %sub3A_592, %div3A_571 : i32
      %mul3A_594 = arith.constant 400 : i32
      %mul3A_595 = arith.muli %select_n3A_593, %mul3A_594 : i32
      %sub3A_596 = arith.subi %add3A_569, %mul3A_595 : i32
      %mul3A_597 = arith.constant 128 : i32
      %mul3A_598 = arith.muli %sub3A_596, %mul3A_597 : i32
      %dma_start3A_599 = arith.constant 0 : i32
      %dma_start3A_600 = tpu.memref_slice %arg4[%mul3A_598, %select_n3A_593, %dma_start3A_599] : memref<51200x4x32xf32, #tpu.memory_space<hbm>> -> memref<128x1x32xf32, #tpu.memory_space<hbm>>
      %dma_start3A_601 = tpu.memref_squeeze %dma_start3A_600 : memref<128x1x32xf32, #tpu.memory_space<hbm>> -> memref<128x32xf32, #tpu.memory_space<hbm>>
      %dma_start3A_602 = arith.constant 0 : i32
      %dma_start3A_603 = tpu.memref_slice %arg4[%mul3A_598, %select_n3A_593, %dma_start3A_602] : memref<51200x4x32xf32, #tpu.memory_space<hbm>> -> memref<128x1x32xf32, #tpu.memory_space<hbm>>
      %dma_start3A_604 = tpu.memref_squeeze %dma_start3A_603 : memref<128x1x32xf32, #tpu.memory_space<hbm>> -> memref<128x32xf32, #tpu.memory_space<hbm>>
      tpu.enqueue_dma source(%arg10 : memref<128x32xf32, #tpu.memory_space<vmem>>) target(%dma_start3A_604 : memref<128x32xf32, #tpu.memory_space<hbm>>) target_semaphore(%arg20 : memref<!tpu.dma_semaphore, #tpu.memory_space<semaphore_mem>>)
      %dma_wait3A_605 = arith.constant 0 : i32
      %dma_wait3A_606 = arith.constant 0 : i32
      %dma_wait3A_607 = arith.constant 0 : i32
      %dma_wait3A_608 = tpu.memref_slice %arg4[%dma_wait3A_606, %dma_wait3A_605, %dma_wait3A_607] : memref<51200x4x32xf32, #tpu.memory_space<hbm>> -> memref<128x1x32xf32, #tpu.memory_space<hbm>>
      %dma_wait3A_609 = tpu.memref_squeeze %dma_wait3A_608 : memref<128x1x32xf32, #tpu.memory_space<hbm>> -> memref<128x32xf32, #tpu.memory_space<hbm>>
      %dma_wait3A_610 = arith.constant 0 : i32
      %dma_wait3A_611 = arith.constant 0 : i32
      %dma_wait3A_612 = tpu.memref_slice %arg4[%dma_wait3A_610, %dma_wait3A_605, %dma_wait3A_611] : memref<51200x4x32xf32, #tpu.memory_space<hbm>> -> memref<128x1x32xf32, #tpu.memory_space<hbm>>
      %dma_wait3A_613 = tpu.memref_squeeze %dma_wait3A_612 : memref<128x1x32xf32, #tpu.memory_space<hbm>> -> memref<128x32xf32, #tpu.memory_space<hbm>>
      tpu.wait_dma2 semaphore(%arg20 : memref<!tpu.dma_semaphore, #tpu.memory_space<semaphore_mem>>) src(%arg10 : memref<128x32xf32, #tpu.memory_space<vmem>>) dst(%dma_wait3A_613 : memref<128x32xf32, #tpu.memory_space<hbm>>)
      %add3A_614 = arith.constant 5 : i32
      %add3A_615 = arith.addi %add3A_561, %add3A_614 : i32
      %dma_start3A_616 = arith.constant 0 : i32
      %dma_start3A_617 = tpu.memref_slice %arg5[%add3A_615, %dma_start3A_616] : memref<50x128xi32, #tpu.memory_space<vmem>> -> memref<1x128xi32, #tpu.memory_space<vmem>>
      %dma_start3A_618 = tpu.memref_squeeze %dma_start3A_617 : memref<1x128xi32, #tpu.memory_space<vmem>> -> memref<128xi32, #tpu.memory_space<vmem>>
      %dma_start3A_619 = arith.constant 0 : i32
      %dma_start3A_620 = arith.constant 0 : i32
      %dma_start3A_621 = tpu.memref_slice %arg3[%dma_start3A_619, %dma_start3A_620] : memref<1015808x32xf32, #tpu.memory_space<hbm>> -> memref<1015808x32xf32, #tpu.memory_space<hbm>>
      tpu.enqueue_indirect_dma source(%dma_start3A_621 : memref<1015808x32xf32, #tpu.memory_space<hbm>>) target(%arg10 : memref<128x32xf32, #tpu.memory_space<vmem>>) offsets(%dma_start3A_618 : memref<128xi32, #tpu.memory_space<vmem>>) semaphore(%arg15 : memref<!tpu.dma_semaphore, #tpu.memory_space<semaphore_mem>>)
    }
    %scan3A_40 = arith.constant 9 : i32
    %dma_wait3A = arith.constant 0 : i32
    %dma_wait3A_41 = arith.constant 0 : i32
    %dma_wait3A_42 = tpu.memref_slice %arg5[%dma_wait3A, %dma_wait3A_41] : memref<50x128xi32, #tpu.memory_space<vmem>> -> memref<1x128xi32, #tpu.memory_space<vmem>>
    %dma_wait3A_43 = tpu.memref_squeeze %dma_wait3A_42 : memref<1x128xi32, #tpu.memory_space<vmem>> -> memref<128xi32, #tpu.memory_space<vmem>>
    %dma_wait3A_44 = arith.constant 0 : i32
    %dma_wait3A_45 = arith.constant 0 : i32
    %dma_wait3A_46 = tpu.memref_slice %arg3[%dma_wait3A_44, %dma_wait3A_45] : memref<1015808x32xf32, #tpu.memory_space<hbm>> -> memref<1015808x32xf32, #tpu.memory_space<hbm>>
    tpu.wait_indirect_dma semaphore(%arg11 : memref<!tpu.dma_semaphore, #tpu.memory_space<semaphore_mem>>) src(%dma_wait3A_46 : memref<1015808x32xf32, #tpu.memory_space<hbm>>) dst(%arg6 : memref<128x32xf32, #tpu.memory_space<vmem>>)
    %add3A_47 = arith.constant 45 : i32
    %add3A_48 = arith.addi %mul3A_2, %add3A_47 : i32
    %jit3A = arith.constant 400 : i32
    %div3A = arith.divsi %add3A_48, %jit3A : i32
    %sign3A = arith.constant 0 : i32
    %sign3A_49 = arith.cmpi sgt, %add3A_48, %sign3A : i32
    %sign3A_50 = arith.extui %sign3A_49 : i1 to i32
    %sign3A_51 = arith.constant 0 : i32
    %sign3A_52 = arith.cmpi slt, %add3A_48, %sign3A_51 : i32
    %sign3A_53 = arith.extui %sign3A_52 : i1 to i32
    %sign3A_54 = arith.subi %sign3A_50, %sign3A_53 : i32
    %sign3A_55 = arith.constant 0 : i32
    %sign3A_56 = arith.cmpi sgt, %jit3A, %sign3A_55 : i32
    %sign3A_57 = arith.extui %sign3A_56 : i1 to i32
    %sign3A_58 = arith.constant 0 : i32
    %sign3A_59 = arith.cmpi slt, %jit3A, %sign3A_58 : i32
    %sign3A_60 = arith.extui %sign3A_59 : i1 to i32
    %sign3A_61 = arith.subi %sign3A_57, %sign3A_60 : i32
    %ne3A = arith.cmpi ne, %sign3A_54, %sign3A_61 : i32
    %rem3A = arith.remsi %add3A_48, %jit3A : i32
    %ne3A_62 = arith.constant 0 : i32
    %ne3A_63 = arith.cmpi ne, %rem3A, %ne3A_62 : i32
    %and3A = arith.andi %ne3A, %ne3A_63 : i1
    %sub3A = arith.constant 1 : i32
    %sub3A_64 = arith.subi %div3A, %sub3A : i32
    %select_n3A = arith.select %and3A, %sub3A_64, %div3A : i32
    %mul3A_65 = arith.constant 400 : i32
    %mul3A_66 = arith.muli %select_n3A, %mul3A_65 : i32
    %sub3A_67 = arith.subi %add3A_48, %mul3A_66 : i32
    %mul3A_68 = arith.constant 128 : i32
    %mul3A_69 = arith.muli %sub3A_67, %mul3A_68 : i32
    %dma_start3A_70 = arith.constant 0 : i32
    %dma_start3A_71 = tpu.memref_slice %arg4[%mul3A_69, %select_n3A, %dma_start3A_70] : memref<51200x4x32xf32, #tpu.memory_space<hbm>> -> memref<128x1x32xf32, #tpu.memory_space<hbm>>
    %dma_start3A_72 = tpu.memref_squeeze %dma_start3A_71 : memref<128x1x32xf32, #tpu.memory_space<hbm>> -> memref<128x32xf32, #tpu.memory_space<hbm>>
    %dma_start3A_73 = arith.constant 0 : i32
    %dma_start3A_74 = tpu.memref_slice %arg4[%mul3A_69, %select_n3A, %dma_start3A_73] : memref<51200x4x32xf32, #tpu.memory_space<hbm>> -> memref<128x1x32xf32, #tpu.memory_space<hbm>>
    %dma_start3A_75 = tpu.memref_squeeze %dma_start3A_74 : memref<128x1x32xf32, #tpu.memory_space<hbm>> -> memref<128x32xf32, #tpu.memory_space<hbm>>
    tpu.enqueue_dma source(%arg6 : memref<128x32xf32, #tpu.memory_space<vmem>>) target(%dma_start3A_75 : memref<128x32xf32, #tpu.memory_space<hbm>>) target_semaphore(%arg16 : memref<!tpu.dma_semaphore, #tpu.memory_space<semaphore_mem>>)
    %dma_wait3A_76 = arith.constant 0 : i32
    %dma_wait3A_77 = arith.constant 0 : i32
    %dma_wait3A_78 = arith.constant 0 : i32
    %dma_wait3A_79 = tpu.memref_slice %arg4[%dma_wait3A_77, %dma_wait3A_76, %dma_wait3A_78] : memref<51200x4x32xf32, #tpu.memory_space<hbm>> -> memref<128x1x32xf32, #tpu.memory_space<hbm>>
    %dma_wait3A_80 = tpu.memref_squeeze %dma_wait3A_79 : memref<128x1x32xf32, #tpu.memory_space<hbm>> -> memref<128x32xf32, #tpu.memory_space<hbm>>
    %dma_wait3A_81 = arith.constant 0 : i32
    %dma_wait3A_82 = arith.constant 0 : i32
    %dma_wait3A_83 = tpu.memref_slice %arg4[%dma_wait3A_81, %dma_wait3A_76, %dma_wait3A_82] : memref<51200x4x32xf32, #tpu.memory_space<hbm>> -> memref<128x1x32xf32, #tpu.memory_space<hbm>>
    %dma_wait3A_84 = tpu.memref_squeeze %dma_wait3A_83 : memref<128x1x32xf32, #tpu.memory_space<hbm>> -> memref<128x32xf32, #tpu.memory_space<hbm>>
    tpu.wait_dma2 semaphore(%arg16 : memref<!tpu.dma_semaphore, #tpu.memory_space<semaphore_mem>>) src(%arg6 : memref<128x32xf32, #tpu.memory_space<vmem>>) dst(%dma_wait3A_84 : memref<128x32xf32, #tpu.memory_space<hbm>>)
    %dma_wait3A_85 = arith.constant 0 : i32
    %dma_wait3A_86 = arith.constant 0 : i32
    %dma_wait3A_87 = tpu.memref_slice %arg5[%dma_wait3A_85, %dma_wait3A_86] : memref<50x128xi32, #tpu.memory_space<vmem>> -> memref<1x128xi32, #tpu.memory_space<vmem>>
    %dma_wait3A_88 = tpu.memref_squeeze %dma_wait3A_87 : memref<1x128xi32, #tpu.memory_space<vmem>> -> memref<128xi32, #tpu.memory_space<vmem>>
    %dma_wait3A_89 = arith.constant 0 : i32
    %dma_wait3A_90 = arith.constant 0 : i32
    %dma_wait3A_91 = tpu.memref_slice %arg3[%dma_wait3A_89, %dma_wait3A_90] : memref<1015808x32xf32, #tpu.memory_space<hbm>> -> memref<1015808x32xf32, #tpu.memory_space<hbm>>
    tpu.wait_indirect_dma semaphore(%arg12 : memref<!tpu.dma_semaphore, #tpu.memory_space<semaphore_mem>>) src(%dma_wait3A_91 : memref<1015808x32xf32, #tpu.memory_space<hbm>>) dst(%arg7 : memref<128x32xf32, #tpu.memory_space<vmem>>)
    %add3A_92 = arith.constant 46 : i32
    %add3A_93 = arith.addi %mul3A_2, %add3A_92 : i32
    %jit3A_94 = arith.constant 400 : i32
    %div3A_95 = arith.divsi %add3A_93, %jit3A_94 : i32
    %sign3A_96 = arith.constant 0 : i32
    %sign3A_97 = arith.cmpi sgt, %add3A_93, %sign3A_96 : i32
    %sign3A_98 = arith.extui %sign3A_97 : i1 to i32
    %sign3A_99 = arith.constant 0 : i32
    %sign3A_100 = arith.cmpi slt, %add3A_93, %sign3A_99 : i32
    %sign3A_101 = arith.extui %sign3A_100 : i1 to i32
    %sign3A_102 = arith.subi %sign3A_98, %sign3A_101 : i32
    %sign3A_103 = arith.constant 0 : i32
    %sign3A_104 = arith.cmpi sgt, %jit3A_94, %sign3A_103 : i32
    %sign3A_105 = arith.extui %sign3A_104 : i1 to i32
    %sign3A_106 = arith.constant 0 : i32
    %sign3A_107 = arith.cmpi slt, %jit3A_94, %sign3A_106 : i32
    %sign3A_108 = arith.extui %sign3A_107 : i1 to i32
    %sign3A_109 = arith.subi %sign3A_105, %sign3A_108 : i32
    %ne3A_110 = arith.cmpi ne, %sign3A_102, %sign3A_109 : i32
    %rem3A_111 = arith.remsi %add3A_93, %jit3A_94 : i32
    %ne3A_112 = arith.constant 0 : i32
    %ne3A_113 = arith.cmpi ne, %rem3A_111, %ne3A_112 : i32
    %and3A_114 = arith.andi %ne3A_110, %ne3A_113 : i1
    %sub3A_115 = arith.constant 1 : i32
    %sub3A_116 = arith.subi %div3A_95, %sub3A_115 : i32
    %select_n3A_117 = arith.select %and3A_114, %sub3A_116, %div3A_95 : i32
    %mul3A_118 = arith.constant 400 : i32
    %mul3A_119 = arith.muli %select_n3A_117, %mul3A_118 : i32
    %sub3A_120 = arith.subi %add3A_93, %mul3A_119 : i32
    %mul3A_121 = arith.constant 128 : i32
    %mul3A_122 = arith.muli %sub3A_120, %mul3A_121 : i32
    %dma_start3A_123 = arith.constant 0 : i32
    %dma_start3A_124 = tpu.memref_slice %arg4[%mul3A_122, %select_n3A_117, %dma_start3A_123] : memref<51200x4x32xf32, #tpu.memory_space<hbm>> -> memref<128x1x32xf32, #tpu.memory_space<hbm>>
    %dma_start3A_125 = tpu.memref_squeeze %dma_start3A_124 : memref<128x1x32xf32, #tpu.memory_space<hbm>> -> memref<128x32xf32, #tpu.memory_space<hbm>>
    %dma_start3A_126 = arith.constant 0 : i32
    %dma_start3A_127 = tpu.memref_slice %arg4[%mul3A_122, %select_n3A_117, %dma_start3A_126] : memref<51200x4x32xf32, #tpu.memory_space<hbm>> -> memref<128x1x32xf32, #tpu.memory_space<hbm>>
    %dma_start3A_128 = tpu.memref_squeeze %dma_start3A_127 : memref<128x1x32xf32, #tpu.memory_space<hbm>> -> memref<128x32xf32, #tpu.memory_space<hbm>>
    tpu.enqueue_dma source(%arg7 : memref<128x32xf32, #tpu.memory_space<vmem>>) target(%dma_start3A_128 : memref<128x32xf32, #tpu.memory_space<hbm>>) target_semaphore(%arg17 : memref<!tpu.dma_semaphore, #tpu.memory_space<semaphore_mem>>)
    %dma_wait3A_129 = arith.constant 0 : i32
    %dma_wait3A_130 = arith.constant 0 : i32
    %dma_wait3A_131 = arith.constant 0 : i32
    %dma_wait3A_132 = tpu.memref_slice %arg4[%dma_wait3A_130, %dma_wait3A_129, %dma_wait3A_131] : memref<51200x4x32xf32, #tpu.memory_space<hbm>> -> memref<128x1x32xf32, #tpu.memory_space<hbm>>
    %dma_wait3A_133 = tpu.memref_squeeze %dma_wait3A_132 : memref<128x1x32xf32, #tpu.memory_space<hbm>> -> memref<128x32xf32, #tpu.memory_space<hbm>>
    %dma_wait3A_134 = arith.constant 0 : i32
    %dma_wait3A_135 = arith.constant 0 : i32
    %dma_wait3A_136 = tpu.memref_slice %arg4[%dma_wait3A_134, %dma_wait3A_129, %dma_wait3A_135] : memref<51200x4x32xf32, #tpu.memory_space<hbm>> -> memref<128x1x32xf32, #tpu.memory_space<hbm>>
    %dma_wait3A_137 = tpu.memref_squeeze %dma_wait3A_136 : memref<128x1x32xf32, #tpu.memory_space<hbm>> -> memref<128x32xf32, #tpu.memory_space<hbm>>
    tpu.wait_dma2 semaphore(%arg17 : memref<!tpu.dma_semaphore, #tpu.memory_space<semaphore_mem>>) src(%arg7 : memref<128x32xf32, #tpu.memory_space<vmem>>) dst(%dma_wait3A_137 : memref<128x32xf32, #tpu.memory_space<hbm>>)
    %dma_wait3A_138 = arith.constant 0 : i32
    %dma_wait3A_139 = arith.constant 0 : i32
    %dma_wait3A_140 = tpu.memref_slice %arg5[%dma_wait3A_138, %dma_wait3A_139] : memref<50x128xi32, #tpu.memory_space<vmem>> -> memref<1x128xi32, #tpu.memory_space<vmem>>
    %dma_wait3A_141 = tpu.memref_squeeze %dma_wait3A_140 : memref<1x128xi32, #tpu.memory_space<vmem>> -> memref<128xi32, #tpu.memory_space<vmem>>
    %dma_wait3A_142 = arith.constant 0 : i32
    %dma_wait3A_143 = arith.constant 0 : i32
    %dma_wait3A_144 = tpu.memref_slice %arg3[%dma_wait3A_142, %dma_wait3A_143] : memref<1015808x32xf32, #tpu.memory_space<hbm>> -> memref<1015808x32xf32, #tpu.memory_space<hbm>>
    tpu.wait_indirect_dma semaphore(%arg13 : memref<!tpu.dma_semaphore, #tpu.memory_space<semaphore_mem>>) src(%dma_wait3A_144 : memref<1015808x32xf32, #tpu.memory_space<hbm>>) dst(%arg8 : memref<128x32xf32, #tpu.memory_space<vmem>>)
    %add3A_145 = arith.constant 47 : i32
    %add3A_146 = arith.addi %mul3A_2, %add3A_145 : i32
    %jit3A_147 = arith.constant 400 : i32
    %div3A_148 = arith.divsi %add3A_146, %jit3A_147 : i32
    %sign3A_149 = arith.constant 0 : i32
    %sign3A_150 = arith.cmpi sgt, %add3A_146, %sign3A_149 : i32
    %sign3A_151 = arith.extui %sign3A_150 : i1 to i32
    %sign3A_152 = arith.constant 0 : i32
    %sign3A_153 = arith.cmpi slt, %add3A_146, %sign3A_152 : i32
    %sign3A_154 = arith.extui %sign3A_153 : i1 to i32
    %sign3A_155 = arith.subi %sign3A_151, %sign3A_154 : i32
    %sign3A_156 = arith.constant 0 : i32
    %sign3A_157 = arith.cmpi sgt, %jit3A_147, %sign3A_156 : i32
    %sign3A_158 = arith.extui %sign3A_157 : i1 to i32
    %sign3A_159 = arith.constant 0 : i32
    %sign3A_160 = arith.cmpi slt, %jit3A_147, %sign3A_159 : i32
    %sign3A_161 = arith.extui %sign3A_160 : i1 to i32
    %sign3A_162 = arith.subi %sign3A_158, %sign3A_161 : i32
    %ne3A_163 = arith.cmpi ne, %sign3A_155, %sign3A_162 : i32
    %rem3A_164 = arith.remsi %add3A_146, %jit3A_147 : i32
    %ne3A_165 = arith.constant 0 : i32
    %ne3A_166 = arith.cmpi ne, %rem3A_164, %ne3A_165 : i32
    %and3A_167 = arith.andi %ne3A_163, %ne3A_166 : i1
    %sub3A_168 = arith.constant 1 : i32
    %sub3A_169 = arith.subi %div3A_148, %sub3A_168 : i32
    %select_n3A_170 = arith.select %and3A_167, %sub3A_169, %div3A_148 : i32
    %mul3A_171 = arith.constant 400 : i32
    %mul3A_172 = arith.muli %select_n3A_170, %mul3A_171 : i32
    %sub3A_173 = arith.subi %add3A_146, %mul3A_172 : i32
    %mul3A_174 = arith.constant 128 : i32
    %mul3A_175 = arith.muli %sub3A_173, %mul3A_174 : i32
    %dma_start3A_176 = arith.constant 0 : i32
    %dma_start3A_177 = tpu.memref_slice %arg4[%mul3A_175, %select_n3A_170, %dma_start3A_176] : memref<51200x4x32xf32, #tpu.memory_space<hbm>> -> memref<128x1x32xf32, #tpu.memory_space<hbm>>
    %dma_start3A_178 = tpu.memref_squeeze %dma_start3A_177 : memref<128x1x32xf32, #tpu.memory_space<hbm>> -> memref<128x32xf32, #tpu.memory_space<hbm>>
    %dma_start3A_179 = arith.constant 0 : i32
    %dma_start3A_180 = tpu.memref_slice %arg4[%mul3A_175, %select_n3A_170, %dma_start3A_179] : memref<51200x4x32xf32, #tpu.memory_space<hbm>> -> memref<128x1x32xf32, #tpu.memory_space<hbm>>
    %dma_start3A_181 = tpu.memref_squeeze %dma_start3A_180 : memref<128x1x32xf32, #tpu.memory_space<hbm>> -> memref<128x32xf32, #tpu.memory_space<hbm>>
    tpu.enqueue_dma source(%arg8 : memref<128x32xf32, #tpu.memory_space<vmem>>) target(%dma_start3A_181 : memref<128x32xf32, #tpu.memory_space<hbm>>) target_semaphore(%arg18 : memref<!tpu.dma_semaphore, #tpu.memory_space<semaphore_mem>>)
    %dma_wait3A_182 = arith.constant 0 : i32
    %dma_wait3A_183 = arith.constant 0 : i32
    %dma_wait3A_184 = arith.constant 0 : i32
    %dma_wait3A_185 = tpu.memref_slice %arg4[%dma_wait3A_183, %dma_wait3A_182, %dma_wait3A_184] : memref<51200x4x32xf32, #tpu.memory_space<hbm>> -> memref<128x1x32xf32, #tpu.memory_space<hbm>>
    %dma_wait3A_186 = tpu.memref_squeeze %dma_wait3A_185 : memref<128x1x32xf32, #tpu.memory_space<hbm>> -> memref<128x32xf32, #tpu.memory_space<hbm>>
    %dma_wait3A_187 = arith.constant 0 : i32
    %dma_wait3A_188 = arith.constant 0 : i32
    %dma_wait3A_189 = tpu.memref_slice %arg4[%dma_wait3A_187, %dma_wait3A_182, %dma_wait3A_188] : memref<51200x4x32xf32, #tpu.memory_space<hbm>> -> memref<128x1x32xf32, #tpu.memory_space<hbm>>
    %dma_wait3A_190 = tpu.memref_squeeze %dma_wait3A_189 : memref<128x1x32xf32, #tpu.memory_space<hbm>> -> memref<128x32xf32, #tpu.memory_space<hbm>>
    tpu.wait_dma2 semaphore(%arg18 : memref<!tpu.dma_semaphore, #tpu.memory_space<semaphore_mem>>) src(%arg8 : memref<128x32xf32, #tpu.memory_space<vmem>>) dst(%dma_wait3A_190 : memref<128x32xf32, #tpu.memory_space<hbm>>)
    %dma_wait3A_191 = arith.constant 0 : i32
    %dma_wait3A_192 = arith.constant 0 : i32
    %dma_wait3A_193 = tpu.memref_slice %arg5[%dma_wait3A_191, %dma_wait3A_192] : memref<50x128xi32, #tpu.memory_space<vmem>> -> memref<1x128xi32, #tpu.memory_space<vmem>>
    %dma_wait3A_194 = tpu.memref_squeeze %dma_wait3A_193 : memref<1x128xi32, #tpu.memory_space<vmem>> -> memref<128xi32, #tpu.memory_space<vmem>>
    %dma_wait3A_195 = arith.constant 0 : i32
    %dma_wait3A_196 = arith.constant 0 : i32
    %dma_wait3A_197 = tpu.memref_slice %arg3[%dma_wait3A_195, %dma_wait3A_196] : memref<1015808x32xf32, #tpu.memory_space<hbm>> -> memref<1015808x32xf32, #tpu.memory_space<hbm>>
    tpu.wait_indirect_dma semaphore(%arg14 : memref<!tpu.dma_semaphore, #tpu.memory_space<semaphore_mem>>) src(%dma_wait3A_197 : memref<1015808x32xf32, #tpu.memory_space<hbm>>) dst(%arg9 : memref<128x32xf32, #tpu.memory_space<vmem>>)
    %add3A_198 = arith.constant 48 : i32
    %add3A_199 = arith.addi %mul3A_2, %add3A_198 : i32
    %jit3A_200 = arith.constant 400 : i32
    %div3A_201 = arith.divsi %add3A_199, %jit3A_200 : i32
    %sign3A_202 = arith.constant 0 : i32
    %sign3A_203 = arith.cmpi sgt, %add3A_199, %sign3A_202 : i32
    %sign3A_204 = arith.extui %sign3A_203 : i1 to i32
    %sign3A_205 = arith.constant 0 : i32
    %sign3A_206 = arith.cmpi slt, %add3A_199, %sign3A_205 : i32
    %sign3A_207 = arith.extui %sign3A_206 : i1 to i32
    %sign3A_208 = arith.subi %sign3A_204, %sign3A_207 : i32
    %sign3A_209 = arith.constant 0 : i32
    %sign3A_210 = arith.cmpi sgt, %jit3A_200, %sign3A_209 : i32
    %sign3A_211 = arith.extui %sign3A_210 : i1 to i32
    %sign3A_212 = arith.constant 0 : i32
    %sign3A_213 = arith.cmpi slt, %jit3A_200, %sign3A_212 : i32
    %sign3A_214 = arith.extui %sign3A_213 : i1 to i32
    %sign3A_215 = arith.subi %sign3A_211, %sign3A_214 : i32
    %ne3A_216 = arith.cmpi ne, %sign3A_208, %sign3A_215 : i32
    %rem3A_217 = arith.remsi %add3A_199, %jit3A_200 : i32
    %ne3A_218 = arith.constant 0 : i32
    %ne3A_219 = arith.cmpi ne, %rem3A_217, %ne3A_218 : i32
    %and3A_220 = arith.andi %ne3A_216, %ne3A_219 : i1
    %sub3A_221 = arith.constant 1 : i32
    %sub3A_222 = arith.subi %div3A_201, %sub3A_221 : i32
    %select_n3A_223 = arith.select %and3A_220, %sub3A_222, %div3A_201 : i32
    %mul3A_224 = arith.constant 400 : i32
    %mul3A_225 = arith.muli %select_n3A_223, %mul3A_224 : i32
    %sub3A_226 = arith.subi %add3A_199, %mul3A_225 : i32
    %mul3A_227 = arith.constant 128 : i32
    %mul3A_228 = arith.muli %sub3A_226, %mul3A_227 : i32
    %dma_start3A_229 = arith.constant 0 : i32
    %dma_start3A_230 = tpu.memref_slice %arg4[%mul3A_228, %select_n3A_223, %dma_start3A_229] : memref<51200x4x32xf32, #tpu.memory_space<hbm>> -> memref<128x1x32xf32, #tpu.memory_space<hbm>>
    %dma_start3A_231 = tpu.memref_squeeze %dma_start3A_230 : memref<128x1x32xf32, #tpu.memory_space<hbm>> -> memref<128x32xf32, #tpu.memory_space<hbm>>
    %dma_start3A_232 = arith.constant 0 : i32
    %dma_start3A_233 = tpu.memref_slice %arg4[%mul3A_228, %select_n3A_223, %dma_start3A_232] : memref<51200x4x32xf32, #tpu.memory_space<hbm>> -> memref<128x1x32xf32, #tpu.memory_space<hbm>>
    %dma_start3A_234 = tpu.memref_squeeze %dma_start3A_233 : memref<128x1x32xf32, #tpu.memory_space<hbm>> -> memref<128x32xf32, #tpu.memory_space<hbm>>
    tpu.enqueue_dma source(%arg9 : memref<128x32xf32, #tpu.memory_space<vmem>>) target(%dma_start3A_234 : memref<128x32xf32, #tpu.memory_space<hbm>>) target_semaphore(%arg19 : memref<!tpu.dma_semaphore, #tpu.memory_space<semaphore_mem>>)
    %dma_wait3A_235 = arith.constant 0 : i32
    %dma_wait3A_236 = arith.constant 0 : i32
    %dma_wait3A_237 = arith.constant 0 : i32
    %dma_wait3A_238 = tpu.memref_slice %arg4[%dma_wait3A_236, %dma_wait3A_235, %dma_wait3A_237] : memref<51200x4x32xf32, #tpu.memory_space<hbm>> -> memref<128x1x32xf32, #tpu.memory_space<hbm>>
    %dma_wait3A_239 = tpu.memref_squeeze %dma_wait3A_238 : memref<128x1x32xf32, #tpu.memory_space<hbm>> -> memref<128x32xf32, #tpu.memory_space<hbm>>
    %dma_wait3A_240 = arith.constant 0 : i32
    %dma_wait3A_241 = arith.constant 0 : i32
    %dma_wait3A_242 = tpu.memref_slice %arg4[%dma_wait3A_240, %dma_wait3A_235, %dma_wait3A_241] : memref<51200x4x32xf32, #tpu.memory_space<hbm>> -> memref<128x1x32xf32, #tpu.memory_space<hbm>>
    %dma_wait3A_243 = tpu.memref_squeeze %dma_wait3A_242 : memref<128x1x32xf32, #tpu.memory_space<hbm>> -> memref<128x32xf32, #tpu.memory_space<hbm>>
    tpu.wait_dma2 semaphore(%arg19 : memref<!tpu.dma_semaphore, #tpu.memory_space<semaphore_mem>>) src(%arg9 : memref<128x32xf32, #tpu.memory_space<vmem>>) dst(%dma_wait3A_243 : memref<128x32xf32, #tpu.memory_space<hbm>>)
    %dma_wait3A_244 = arith.constant 0 : i32
    %dma_wait3A_245 = arith.constant 0 : i32
    %dma_wait3A_246 = tpu.memref_slice %arg5[%dma_wait3A_244, %dma_wait3A_245] : memref<50x128xi32, #tpu.memory_space<vmem>> -> memref<1x128xi32, #tpu.memory_space<vmem>>
    %dma_wait3A_247 = tpu.memref_squeeze %dma_wait3A_246 : memref<1x128xi32, #tpu.memory_space<vmem>> -> memref<128xi32, #tpu.memory_space<vmem>>
    %dma_wait3A_248 = arith.constant 0 : i32
    %dma_wait3A_249 = arith.constant 0 : i32
    %dma_wait3A_250 = tpu.memref_slice %arg3[%dma_wait3A_248, %dma_wait3A_249] : memref<1015808x32xf32, #tpu.memory_space<hbm>> -> memref<1015808x32xf32, #tpu.memory_space<hbm>>
    tpu.wait_indirect_dma semaphore(%arg15 : memref<!tpu.dma_semaphore, #tpu.memory_space<semaphore_mem>>) src(%dma_wait3A_250 : memref<1015808x32xf32, #tpu.memory_space<hbm>>) dst(%arg10 : memref<128x32xf32, #tpu.memory_space<vmem>>)
    %add3A_251 = arith.constant 49 : i32
    %add3A_252 = arith.addi %mul3A_2, %add3A_251 : i32
    %jit3A_253 = arith.constant 400 : i32
    %div3A_254 = arith.divsi %add3A_252, %jit3A_253 : i32
    %sign3A_255 = arith.constant 0 : i32
    %sign3A_256 = arith.cmpi sgt, %add3A_252, %sign3A_255 : i32
    %sign3A_257 = arith.extui %sign3A_256 : i1 to i32
    %sign3A_258 = arith.constant 0 : i32
    %sign3A_259 = arith.cmpi slt, %add3A_252, %sign3A_258 : i32
    %sign3A_260 = arith.extui %sign3A_259 : i1 to i32
    %sign3A_261 = arith.subi %sign3A_257, %sign3A_260 : i32
    %sign3A_262 = arith.constant 0 : i32
    %sign3A_263 = arith.cmpi sgt, %jit3A_253, %sign3A_262 : i32
    %sign3A_264 = arith.extui %sign3A_263 : i1 to i32
    %sign3A_265 = arith.constant 0 : i32
    %sign3A_266 = arith.cmpi slt, %jit3A_253, %sign3A_265 : i32
    %sign3A_267 = arith.extui %sign3A_266 : i1 to i32
    %sign3A_268 = arith.subi %sign3A_264, %sign3A_267 : i32
    %ne3A_269 = arith.cmpi ne, %sign3A_261, %sign3A_268 : i32
    %rem3A_270 = arith.remsi %add3A_252, %jit3A_253 : i32
    %ne3A_271 = arith.constant 0 : i32
    %ne3A_272 = arith.cmpi ne, %rem3A_270, %ne3A_271 : i32
    %and3A_273 = arith.andi %ne3A_269, %ne3A_272 : i1
    %sub3A_274 = arith.constant 1 : i32
    %sub3A_275 = arith.subi %div3A_254, %sub3A_274 : i32
    %select_n3A_276 = arith.select %and3A_273, %sub3A_275, %div3A_254 : i32
    %mul3A_277 = arith.constant 400 : i32
    %mul3A_278 = arith.muli %select_n3A_276, %mul3A_277 : i32
    %sub3A_279 = arith.subi %add3A_252, %mul3A_278 : i32
    %mul3A_280 = arith.constant 128 : i32
    %mul3A_281 = arith.muli %sub3A_279, %mul3A_280 : i32
    %dma_start3A_282 = arith.constant 0 : i32
    %dma_start3A_283 = tpu.memref_slice %arg4[%mul3A_281, %select_n3A_276, %dma_start3A_282] : memref<51200x4x32xf32, #tpu.memory_space<hbm>> -> memref<128x1x32xf32, #tpu.memory_space<hbm>>
    %dma_start3A_284 = tpu.memref_squeeze %dma_start3A_283 : memref<128x1x32xf32, #tpu.memory_space<hbm>> -> memref<128x32xf32, #tpu.memory_space<hbm>>
    %dma_start3A_285 = arith.constant 0 : i32
    %dma_start3A_286 = tpu.memref_slice %arg4[%mul3A_281, %select_n3A_276, %dma_start3A_285] : memref<51200x4x32xf32, #tpu.memory_space<hbm>> -> memref<128x1x32xf32, #tpu.memory_space<hbm>>
    %dma_start3A_287 = tpu.memref_squeeze %dma_start3A_286 : memref<128x1x32xf32, #tpu.memory_space<hbm>> -> memref<128x32xf32, #tpu.memory_space<hbm>>
    tpu.enqueue_dma source(%arg10 : memref<128x32xf32, #tpu.memory_space<vmem>>) target(%dma_start3A_287 : memref<128x32xf32, #tpu.memory_space<hbm>>) target_semaphore(%arg20 : memref<!tpu.dma_semaphore, #tpu.memory_space<semaphore_mem>>)
    %dma_wait3A_288 = arith.constant 0 : i32
    %dma_wait3A_289 = arith.constant 0 : i32
    %dma_wait3A_290 = arith.constant 0 : i32
    %dma_wait3A_291 = tpu.memref_slice %arg4[%dma_wait3A_289, %dma_wait3A_288, %dma_wait3A_290] : memref<51200x4x32xf32, #tpu.memory_space<hbm>> -> memref<128x1x32xf32, #tpu.memory_space<hbm>>
    %dma_wait3A_292 = tpu.memref_squeeze %dma_wait3A_291 : memref<128x1x32xf32, #tpu.memory_space<hbm>> -> memref<128x32xf32, #tpu.memory_space<hbm>>
    %dma_wait3A_293 = arith.constant 0 : i32
    %dma_wait3A_294 = arith.constant 0 : i32
    %dma_wait3A_295 = tpu.memref_slice %arg4[%dma_wait3A_293, %dma_wait3A_288, %dma_wait3A_294] : memref<51200x4x32xf32, #tpu.memory_space<hbm>> -> memref<128x1x32xf32, #tpu.memory_space<hbm>>
    %dma_wait3A_296 = tpu.memref_squeeze %dma_wait3A_295 : memref<128x1x32xf32, #tpu.memory_space<hbm>> -> memref<128x32xf32, #tpu.memory_space<hbm>>
    tpu.wait_dma2 semaphore(%arg20 : memref<!tpu.dma_semaphore, #tpu.memory_space<semaphore_mem>>) src(%arg10 : memref<128x32xf32, #tpu.memory_space<vmem>>) dst(%dma_wait3A_296 : memref<128x32xf32, #tpu.memory_space<hbm>>)
    return
  }
}

module attributes {stable_mosaic.version = 14 : i64} {
  func.func @_project_body(%arg0: i32, %arg1: memref<64x32768xf32, #tpu.memory_space<vmem>>, %arg2: memref<256x128xf32, #tpu.memory_space<vmem>>, %arg3: memref<8192x128xf32, #tpu.memory_space<vmem>>) attributes {dimension_semantics = [#tpu.dimension_semantics<parallel>], iteration_bounds = array<i64: 31>, scalar_prefetch = 0 : i64, scratch_operands = 0 : i64, tpu.core_type = #tpu.core_type<tc>, window_params = [{transform_indices = @transform_0, window_bounds = array<i64: 64, 32768>}, {pipeline_mode = #tpu.pipeline_mode<synchronous>, transform_indices = @transform_1, window_bounds = array<i64: 256, 128>}, {transform_indices = @transform_2, window_bounds = array<i64: 8192, 128>}]} {
    %get3A = arith.constant 0 : index
    %get3A_0 = arith.constant 0 : index
    %get3A_1 = vector.load %arg1[%get3A, %get3A_0] : memref<64x32768xf32, #tpu.memory_space<vmem>>, vector<64x32768xf32>
    %mul3A = arith.constant 32768 : i32
    %mul3A_2 = arith.muli %arg0, %mul3A : i32
    %iota3A = tpu.iota {dimensions = array<i32: 1>} : vector<64x32768xi32>
    %add3A = vector.broadcast %mul3A_2 : i32 to vector<64x32768xi32>
    %add3A_3 = arith.addi %add3A, %iota3A : vector<64x32768xi32>
    %lt3A = arith.constant 1000000 : i32
    %lt3A_4 = vector.broadcast %lt3A : i32 to vector<64x32768xi32>
    %lt3A_5 = arith.cmpi slt, %add3A_3, %lt3A_4 : vector<64x32768xi32>
    %jit3A = arith.constant 0.000000e+00 : f32
    %broadcast_in_dim3A = vector.broadcast %jit3A : f32 to vector<64x32768xf32>
    %select_n3A = arith.select %lt3A_5, %get3A_1, %broadcast_in_dim3A : vector<64x32768xi1>, vector<64x32768xf32>
    %slice3A = vector.extract_strided_slice %select_n3A {offsets = [0, 0], sizes = [64, 8192], strides = [1, 1]} : vector<64x32768xf32> to vector<64x8192xf32>
    %slice3A_6 = vector.extract_strided_slice %select_n3A {offsets = [0, 8192], sizes = [64, 8192], strides = [1, 1]} : vector<64x32768xf32> to vector<64x8192xf32>
    %slice3A_7 = vector.extract_strided_slice %select_n3A {offsets = [0, 16384], sizes = [64, 8192], strides = [1, 1]} : vector<64x32768xf32> to vector<64x8192xf32>
    %slice3A_8 = vector.extract_strided_slice %select_n3A {offsets = [0, 24576], sizes = [64, 8192], strides = [1, 1]} : vector<64x32768xf32> to vector<64x8192xf32>
    %concatenate3A = tpu.concatenate %slice3A, %slice3A_6, %slice3A_7, %slice3A_8 in 0 : vector<64x8192xf32>, vector<64x8192xf32>, vector<64x8192xf32>, vector<64x8192xf32> -> vector<256x8192xf32>
    %get3A_9 = arith.constant 0 : index
    %get3A_10 = arith.constant 0 : index
    %get3A_11 = vector.load %arg2[%get3A_9, %get3A_10] : memref<256x128xf32, #tpu.memory_space<vmem>>, vector<256x128xf32>
    %dot_general3A = arith.constant dense<0.000000e+00> : vector<8192x128xf32>
    %dot_general3A_12 = tpu.matmul %concatenate3A, %get3A_11, %dot_general3A {dimension_numbers = #tpu.dot_dimension_numbers<[0], [0], [1], [1], [0, 1, 1, 1], [], []>, transpose_lhs_hint = false} : vector<256x8192xf32>, vector<256x128xf32>, vector<8192x128xf32> -> vector<8192x128xf32>
    %swap3A = arith.constant 0 : index
    %swap3A_13 = arith.constant 0 : index
    %swap3A_14 = vector.load %arg3[%swap3A, %swap3A_13] : memref<8192x128xf32, #tpu.memory_space<vmem>>, vector<8192x128xf32>
    tpu.vector_store %arg3[%swap3A, %swap3A_13], %dot_general3A_12 {strides = array<i32>} : memref<8192x128xf32, #tpu.memory_space<vmem>>, vector<8192x128xf32>,
    return
  }
  func.func @transform_0(%arg0: i32) -> (i32, i32) {
    %c0_i32 = arith.constant 0 : i32
    %c0_i32_0 = arith.constant 0 : i32
    return %c0_i32, %arg0 : i32, i32
  }
  func.func @transform_1(%arg0: i32) -> (i32, i32) {
    %c0_i32 = arith.constant 0 : i32
    %c0_i32_0 = arith.constant 0 : i32
    %c0_i32_1 = arith.constant 0 : i32
    return %c0_i32, %c0_i32_0 : i32, i32
  }
  func.func @transform_2(%arg0: i32) -> (i32, i32) {
    %c0_i32 = arith.constant 0 : i32
    %c0_i32_0 = arith.constant 0 : i32
    return %arg0, %c0_i32 : i32, i32
  }
}

module attributes {stable_mosaic.version = 14 : i64} {
  func.func @_final_body(%arg0: i32, %arg1: memref<262144xf32, #tpu.memory_space<vmem>>, %arg2: memref<20xf32, #tpu.memory_space<vmem>>, %arg3: memref<2048xi32, #tpu.memory_space<vmem>>, %arg4: memref<2048xi32, #tpu.memory_space<vmem>>, %arg5: memref<2048xi32, #tpu.memory_space<vmem>>, %arg6: memref<2048xi32, #tpu.memory_space<vmem>>, %arg7: memref<2048xi32, #tpu.memory_space<vmem>>, %arg8: memref<1x1xf32, #tpu.memory_space<smem>>, %arg9: memref<2xf32, #tpu.memory_space<smem>>) attributes {dimension_semantics = [#tpu.dimension_semantics<arbitrary>], iteration_bounds = array<i64: 25>, scalar_prefetch = 0 : i64, scratch_operands = 1 : i64, tpu.core_type = #tpu.core_type<tc>, window_params = [{transform_indices = @transform_0, window_bounds = array<i64: 262144>}, {pipeline_mode = #tpu.pipeline_mode<synchronous>, transform_indices = @transform_1, window_bounds = array<i64: 20>}, {transform_indices = @transform_2, window_bounds = array<i64: 2048>}, {transform_indices = @transform_3, window_bounds = array<i64: 2048>}, {transform_indices = @transform_4, window_bounds = array<i64: 2048>}, {transform_indices = @transform_5, window_bounds = array<i64: 2048>}, {transform_indices = @transform_6, window_bounds = array<i64: 2048>}, {transform_indices = @transform_7, window_bounds = array<i64: 1, 1>}]} {
    %eq3A = arith.constant 0 : i32
    %eq3A_0 = arith.cmpi eq, %arg0, %eq3A : i32
    %convert_element_type3A = arith.extui %eq3A_0 : i1 to i32
    %cond3A = arith.constant 0 : i32
    %cond3A_1 = arith.cmpi ne, %convert_element_type3A, %cond3A : i32
    scf.if %cond3A_1 {
      %swap3A_293 = arith.constant 0.000000e+00 : f32
      %swap3A_294 = arith.constant 0 : index
      %swap3A_295 = memref.load %arg9[%swap3A_294] : memref<2xf32, #tpu.memory_space<smem>>
      memref.store %swap3A_293, %arg9[%swap3A_294] : memref<2xf32, #tpu.memory_space<smem>>
      %swap3A_296 = arith.constant 0.000000e+00 : f32
      %swap3A_297 = arith.constant 1 : index
      %swap3A_298 = memref.load %arg9[%swap3A_297] : memref<2xf32, #tpu.memory_space<smem>>
      memref.store %swap3A_296, %arg9[%swap3A_297] : memref<2xf32, #tpu.memory_space<smem>>
    } else {
    }
    %get3A = arith.constant 0 : index
    %get3A_2 = vector.load %arg1[%get3A] : memref<262144xf32, #tpu.memory_space<vmem>>, vector<262144xf32>
    %reshape3A = vector.shape_cast %get3A_2 : vector<262144xf32> to vector<2048x128xf32>
    %transpose3A = tpu.transpose %reshape3A, [1, 0] : vector<2048x128xf32> -> vector<128x2048xf32>
    %iota3A = tpu.iota {dimensions = array<i32: 0>} : vector<20x2048xi32>
    %get3A_3 = arith.constant 0 : index
    %get3A_4 = vector.load %arg2[%get3A_3] : memref<20xf32, #tpu.memory_space<vmem>>, vector<20xf32>
    %broadcast_in_dim3A = vector.shape_cast %get3A_4 : vector<20xf32> to vector<20x1xf32>
    %broadcast_in_dim3A_5 = arith.constant 0 : i32
    %broadcast_in_dim3A_6 = vector.broadcast %broadcast_in_dim3A_5 : i32 to vector<2048xi32>
    %slice3A = vector.extract_strided_slice %transpose3A {offsets = [0, 0], sizes = [20, 2048], strides = [1, 1]} : vector<128x2048xf32> to vector<20x2048xf32>
    %add3A = vector.broadcast %broadcast_in_dim3A : vector<20x1xf32> to vector<20x2048xf32>
    %add3A_7 = arith.addf %slice3A, %add3A : vector<20x2048xf32>
    %reduce_max3A = arith.constant dense<0xFF800000> : vector<2048xf32>
    %reduce_max3A_8 = vector.multi_reduction <maximumf>, %add3A_7, %reduce_max3A [0] : vector<20x2048xf32> to vector<2048xf32>
    %broadcast_in_dim3A_9 = vector.shape_cast %reduce_max3A_8 : vector<2048xf32> to vector<1x2048xf32>
    %eq3A_10 = vector.broadcast %broadcast_in_dim3A_9 : vector<1x2048xf32> to vector<20x2048xf32>
    %eq3A_11 = arith.cmpf oeq, %add3A_7, %eq3A_10 : vector<20x2048xf32>
    %jit3A = arith.constant 20 : i32
    %broadcast_in_dim3A_12 = vector.broadcast %jit3A : i32 to vector<20x2048xi32>
    %select_n3A = arith.select %eq3A_11, %iota3A, %broadcast_in_dim3A_12 : vector<20x2048xi1>, vector<20x2048xi32>
    %reduce_min3A = arith.constant dense<2147483647> : vector<2048xi32>
    %reduce_min3A_13 = vector.multi_reduction <minsi>, %select_n3A, %reduce_min3A [0] : vector<20x2048xi32> to vector<2048xi32>
    %shift_left3A = arith.constant 0 : i32
    %shift_left3A_14 = vector.broadcast %shift_left3A : i32 to vector<2048xi32>
    %shift_left3A_15 = arith.shli %reduce_min3A_13, %shift_left3A_14 : vector<2048xi32>
    %or3A = arith.ori %broadcast_in_dim3A_6, %shift_left3A_15 : vector<2048xi32>
    %squeeze3A = vector.shape_cast %broadcast_in_dim3A_9 : vector<1x2048xf32> to vector<2048xf32>
    %sub3A = vector.broadcast %broadcast_in_dim3A_9 : vector<1x2048xf32> to vector<20x2048xf32>
    %sub3A_16 = arith.subf %add3A_7, %sub3A : vector<20x2048xf32>
    %exp3A = math.exp %sub3A_16 : vector<20x2048xf32>
    %reduce_sum3A = arith.constant dense<0.000000e+00> : vector<2048xf32>
    %reduce_sum3A_17 = vector.multi_reduction <add>, %exp3A, %reduce_sum3A [0] : vector<20x2048xf32> to vector<2048xf32>
    %log3A = math.log %reduce_sum3A_17 : vector<2048xf32>
    %add3A_18 = arith.addf %squeeze3A, %log3A : vector<2048xf32>
    %get3A_19 = arith.constant 0 : index
    %get3A_20 = vector.load %arg3[%get3A_19] : memref<2048xi32, #tpu.memory_space<vmem>>, vector<2048xi32>
    %shift_right_arithmetic3A = arith.constant 5 : i32
    %shift_right_arithmetic3A_21 = vector.broadcast %shift_right_arithmetic3A : i32 to vector<2048xi32>
    %shift_right_arithmetic3A_22 = arith.shrsi %get3A_20, %shift_right_arithmetic3A_21 : vector<2048xi32>
    %and3A = arith.constant 31 : i32
    %and3A_23 = vector.broadcast %and3A : i32 to vector<2048xi32>
    %and3A_24 = arith.andi %get3A_20, %and3A_23 : vector<2048xi32>
    %eq3A_25 = arith.constant 0 : i32
    %eq3A_26 = vector.broadcast %eq3A_25 : i32 to vector<2048xi32>
    %eq3A_27 = arith.cmpi eq, %shift_right_arithmetic3A_22, %eq3A_26 : vector<2048xi32>
    %jit3A_28 = arith.constant -1 : i32
    %broadcast_in_dim3A_29 = vector.broadcast %jit3A_28 : i32 to vector<2048xi32>
    %select_n3A_30 = arith.select %eq3A_27, %broadcast_in_dim3A_29, %and3A_24 : vector<2048xi1>, vector<2048xi32>
    %ne3A = arith.constant -1 : i32
    %ne3A_31 = vector.broadcast %ne3A : i32 to vector<2048xi32>
    %ne3A_32 = arith.cmpi ne, %select_n3A_30, %ne3A_31 : vector<2048xi32>
    %jit3A_33 = arith.constant 0 : i32
    %broadcast_in_dim3A_34 = vector.broadcast %jit3A_33 : i32 to vector<2048xi32>
    %select_n3A_35 = arith.select %ne3A_32, %select_n3A_30, %broadcast_in_dim3A_34 : vector<2048xi1>, vector<2048xi32>
    %broadcast_in_dim3A_36 = vector.shape_cast %select_n3A_35 : vector<2048xi32> to vector<1x2048xi32>
    %eq3A_37 = vector.broadcast %broadcast_in_dim3A_36 : vector<1x2048xi32> to vector<20x2048xi32>
    %eq3A_38 = arith.cmpi eq, %iota3A, %eq3A_37 : vector<20x2048xi32>
    %jit3A_39 = arith.constant 0.000000e+00 : f32
    %broadcast_in_dim3A_40 = vector.broadcast %jit3A_39 : f32 to vector<20x2048xf32>
    %select_n3A_41 = arith.select %eq3A_38, %add3A_7, %broadcast_in_dim3A_40 : vector<20x2048xi1>, vector<20x2048xf32>
    %reduce_sum3A_42 = arith.constant dense<0.000000e+00> : vector<2048xf32>
    %reduce_sum3A_43 = vector.multi_reduction <add>, %select_n3A_41, %reduce_sum3A_42 [0] : vector<20x2048xf32> to vector<2048xf32>
    %sub3A_44 = arith.subf %add3A_18, %reduce_sum3A_43 : vector<2048xf32>
    %jit3A_45 = arith.constant 0.000000e+00 : f32
    %broadcast_in_dim3A_46 = vector.broadcast %jit3A_45 : f32 to vector<2048xf32>
    %select_n3A_47 = arith.select %ne3A_32, %sub3A_44, %broadcast_in_dim3A_46 : vector<2048xi1>, vector<2048xf32>
    %reduce_sum3A_48 = vector.shape_cast %select_n3A_47 : vector<2048xf32> to vector<1x2048xf32>
    %reduce_sum3A_49 = arith.constant dense<0.000000e+00> : vector<1xf32>
    %reduce_sum3A_50 = vector.multi_reduction <add>, %reduce_sum3A_48, %reduce_sum3A_49 [1] : vector<1x2048xf32> to vector<1xf32>
    %reduce_sum3A_51 = vector.shape_cast %reduce_sum3A_50 : vector<1xf32> to vector<1x1xf32>
    %reduce_sum3A_52 = vector.extract %reduce_sum3A_51[0, 0] : f32 from vector<1x1xf32>
    %add3A_53 = arith.constant 0.000000e+00 : f32
    %add3A_54 = arith.addf %add3A_53, %reduce_sum3A_52 : f32
    %convert_element_type3A_55 = arith.extui %ne3A_32 : vector<2048xi1> to vector<2048xi32>
    %convert_element_type3A_56 = arith.sitofp %convert_element_type3A_55 : vector<2048xi32> to vector<2048xf32>
    %reduce_sum3A_57 = vector.shape_cast %convert_element_type3A_56 : vector<2048xf32> to vector<1x2048xf32>
    %reduce_sum3A_58 = arith.constant dense<0.000000e+00> : vector<1xf32>
    %reduce_sum3A_59 = vector.multi_reduction <add>, %reduce_sum3A_57, %reduce_sum3A_58 [1] : vector<1x2048xf32> to vector<1xf32>
    %reduce_sum3A_60 = vector.shape_cast %reduce_sum3A_59 : vector<1xf32> to vector<1x1xf32>
    %reduce_sum3A_61 = vector.extract %reduce_sum3A_60[0, 0] : f32 from vector<1x1xf32>
    %add3A_62 = arith.constant 0.000000e+00 : f32
    %add3A_63 = arith.addf %add3A_62, %reduce_sum3A_61 : f32
    %slice3A_64 = vector.extract_strided_slice %transpose3A {offsets = [32, 0], sizes = [20, 2048], strides = [1, 1]} : vector<128x2048xf32> to vector<20x2048xf32>
    %add3A_65 = vector.broadcast %broadcast_in_dim3A : vector<20x1xf32> to vector<20x2048xf32>
    %add3A_66 = arith.addf %slice3A_64, %add3A_65 : vector<20x2048xf32>
    %reduce_max3A_67 = arith.constant dense<0xFF800000> : vector<2048xf32>
    %reduce_max3A_68 = vector.multi_reduction <maximumf>, %add3A_66, %reduce_max3A_67 [0] : vector<20x2048xf32> to vector<2048xf32>
    %broadcast_in_dim3A_69 = vector.shape_cast %reduce_max3A_68 : vector<2048xf32> to vector<1x2048xf32>
    %eq3A_70 = vector.broadcast %broadcast_in_dim3A_69 : vector<1x2048xf32> to vector<20x2048xf32>
    %eq3A_71 = arith.cmpf oeq, %add3A_66, %eq3A_70 : vector<20x2048xf32>
    %jit3A_72 = arith.constant 20 : i32
    %broadcast_in_dim3A_73 = vector.broadcast %jit3A_72 : i32 to vector<20x2048xi32>
    %select_n3A_74 = arith.select %eq3A_71, %iota3A, %broadcast_in_dim3A_73 : vector<20x2048xi1>, vector<20x2048xi32>
    %reduce_min3A_75 = arith.constant dense<2147483647> : vector<2048xi32>
    %reduce_min3A_76 = vector.multi_reduction <minsi>, %select_n3A_74, %reduce_min3A_75 [0] : vector<20x2048xi32> to vector<2048xi32>
    %shift_left3A_77 = arith.constant 5 : i32
    %shift_left3A_78 = vector.broadcast %shift_left3A_77 : i32 to vector<2048xi32>
    %shift_left3A_79 = arith.shli %reduce_min3A_76, %shift_left3A_78 : vector<2048xi32>
    %or3A_80 = arith.ori %or3A, %shift_left3A_79 : vector<2048xi32>
    %squeeze3A_81 = vector.shape_cast %broadcast_in_dim3A_69 : vector<1x2048xf32> to vector<2048xf32>
    %sub3A_82 = vector.broadcast %broadcast_in_dim3A_69 : vector<1x2048xf32> to vector<20x2048xf32>
    %sub3A_83 = arith.subf %add3A_66, %sub3A_82 : vector<20x2048xf32>
    %exp3A_84 = math.exp %sub3A_83 : vector<20x2048xf32>
    %reduce_sum3A_85 = arith.constant dense<0.000000e+00> : vector<2048xf32>
    %reduce_sum3A_86 = vector.multi_reduction <add>, %exp3A_84, %reduce_sum3A_85 [0] : vector<20x2048xf32> to vector<2048xf32>
    %log3A_87 = math.log %reduce_sum3A_86 : vector<2048xf32>
    %add3A_88 = arith.addf %squeeze3A_81, %log3A_87 : vector<2048xf32>
    %get3A_89 = arith.constant 0 : index
    %get3A_90 = vector.load %arg4[%get3A_89] : memref<2048xi32, #tpu.memory_space<vmem>>, vector<2048xi32>
    %shift_right_arithmetic3A_91 = arith.constant 5 : i32
    %shift_right_arithmetic3A_92 = vector.broadcast %shift_right_arithmetic3A_91 : i32 to vector<2048xi32>
    %shift_right_arithmetic3A_93 = arith.shrsi %get3A_90, %shift_right_arithmetic3A_92 : vector<2048xi32>
    %and3A_94 = arith.constant 31 : i32
    %and3A_95 = vector.broadcast %and3A_94 : i32 to vector<2048xi32>
    %and3A_96 = arith.andi %get3A_90, %and3A_95 : vector<2048xi32>
    %eq3A_97 = arith.constant 0 : i32
    %eq3A_98 = vector.broadcast %eq3A_97 : i32 to vector<2048xi32>
    %eq3A_99 = arith.cmpi eq, %shift_right_arithmetic3A_93, %eq3A_98 : vector<2048xi32>
    %jit3A_100 = arith.constant -1 : i32
    %broadcast_in_dim3A_101 = vector.broadcast %jit3A_100 : i32 to vector<2048xi32>
    %select_n3A_102 = arith.select %eq3A_99, %broadcast_in_dim3A_101, %and3A_96 : vector<2048xi1>, vector<2048xi32>
    %ne3A_103 = arith.constant -1 : i32
    %ne3A_104 = vector.broadcast %ne3A_103 : i32 to vector<2048xi32>
    %ne3A_105 = arith.cmpi ne, %select_n3A_102, %ne3A_104 : vector<2048xi32>
    %jit3A_106 = arith.constant 0 : i32
    %broadcast_in_dim3A_107 = vector.broadcast %jit3A_106 : i32 to vector<2048xi32>
    %select_n3A_108 = arith.select %ne3A_105, %select_n3A_102, %broadcast_in_dim3A_107 : vector<2048xi1>, vector<2048xi32>
    %broadcast_in_dim3A_109 = vector.shape_cast %select_n3A_108 : vector<2048xi32> to vector<1x2048xi32>
    %eq3A_110 = vector.broadcast %broadcast_in_dim3A_109 : vector<1x2048xi32> to vector<20x2048xi32>
    %eq3A_111 = arith.cmpi eq, %iota3A, %eq3A_110 : vector<20x2048xi32>
    %jit3A_112 = arith.constant 0.000000e+00 : f32
    %broadcast_in_dim3A_113 = vector.broadcast %jit3A_112 : f32 to vector<20x2048xf32>
    %select_n3A_114 = arith.select %eq3A_111, %add3A_66, %broadcast_in_dim3A_113 : vector<20x2048xi1>, vector<20x2048xf32>
    %reduce_sum3A_115 = arith.constant dense<0.000000e+00> : vector<2048xf32>
    %reduce_sum3A_116 = vector.multi_reduction <add>, %select_n3A_114, %reduce_sum3A_115 [0] : vector<20x2048xf32> to vector<2048xf32>
    %sub3A_117 = arith.subf %add3A_88, %reduce_sum3A_116 : vector<2048xf32>
    %jit3A_118 = arith.constant 0.000000e+00 : f32
    %broadcast_in_dim3A_119 = vector.broadcast %jit3A_118 : f32 to vector<2048xf32>
    %select_n3A_120 = arith.select %ne3A_105, %sub3A_117, %broadcast_in_dim3A_119 : vector<2048xi1>, vector<2048xf32>
    %reduce_sum3A_121 = vector.shape_cast %select_n3A_120 : vector<2048xf32> to vector<1x2048xf32>
    %reduce_sum3A_122 = arith.constant dense<0.000000e+00> : vector<1xf32>
    %reduce_sum3A_123 = vector.multi_reduction <add>, %reduce_sum3A_121, %reduce_sum3A_122 [1] : vector<1x2048xf32> to vector<1xf32>
    %reduce_sum3A_124 = vector.shape_cast %reduce_sum3A_123 : vector<1xf32> to vector<1x1xf32>
    %reduce_sum3A_125 = vector.extract %reduce_sum3A_124[0, 0] : f32 from vector<1x1xf32>
    %add3A_126 = arith.addf %add3A_54, %reduce_sum3A_125 : f32
    %convert_element_type3A_127 = arith.extui %ne3A_105 : vector<2048xi1> to vector<2048xi32>
    %convert_element_type3A_128 = arith.sitofp %convert_element_type3A_127 : vector<2048xi32> to vector<2048xf32>
    %reduce_sum3A_129 = vector.shape_cast %convert_element_type3A_128 : vector<2048xf32> to vector<1x2048xf32>
    %reduce_sum3A_130 = arith.constant dense<0.000000e+00> : vector<1xf32>
    %reduce_sum3A_131 = vector.multi_reduction <add>, %reduce_sum3A_129, %reduce_sum3A_130 [1] : vector<1x2048xf32> to vector<1xf32>
    %reduce_sum3A_132 = vector.shape_cast %reduce_sum3A_131 : vector<1xf32> to vector<1x1xf32>
    %reduce_sum3A_133 = vector.extract %reduce_sum3A_132[0, 0] : f32 from vector<1x1xf32>
    %add3A_134 = arith.addf %add3A_63, %reduce_sum3A_133 : f32
    %slice3A_135 = vector.extract_strided_slice %transpose3A {offsets = [64, 0], sizes = [20, 2048], strides = [1, 1]} : vector<128x2048xf32> to vector<20x2048xf32>
    %add3A_136 = vector.broadcast %broadcast_in_dim3A : vector<20x1xf32> to vector<20x2048xf32>
    %add3A_137 = arith.addf %slice3A_135, %add3A_136 : vector<20x2048xf32>
    %reduce_max3A_138 = arith.constant dense<0xFF800000> : vector<2048xf32>
    %reduce_max3A_139 = vector.multi_reduction <maximumf>, %add3A_137, %reduce_max3A_138 [0] : vector<20x2048xf32> to vector<2048xf32>
    %broadcast_in_dim3A_140 = vector.shape_cast %reduce_max3A_139 : vector<2048xf32> to vector<1x2048xf32>
    %eq3A_141 = vector.broadcast %broadcast_in_dim3A_140 : vector<1x2048xf32> to vector<20x2048xf32>
    %eq3A_142 = arith.cmpf oeq, %add3A_137, %eq3A_141 : vector<20x2048xf32>
    %jit3A_143 = arith.constant 20 : i32
    %broadcast_in_dim3A_144 = vector.broadcast %jit3A_143 : i32 to vector<20x2048xi32>
    %select_n3A_145 = arith.select %eq3A_142, %iota3A, %broadcast_in_dim3A_144 : vector<20x2048xi1>, vector<20x2048xi32>
    %reduce_min3A_146 = arith.constant dense<2147483647> : vector<2048xi32>
    %reduce_min3A_147 = vector.multi_reduction <minsi>, %select_n3A_145, %reduce_min3A_146 [0] : vector<20x2048xi32> to vector<2048xi32>
    %shift_left3A_148 = arith.constant 10 : i32
    %shift_left3A_149 = vector.broadcast %shift_left3A_148 : i32 to vector<2048xi32>
    %shift_left3A_150 = arith.shli %reduce_min3A_147, %shift_left3A_149 : vector<2048xi32>
    %or3A_151 = arith.ori %or3A_80, %shift_left3A_150 : vector<2048xi32>
    %squeeze3A_152 = vector.shape_cast %broadcast_in_dim3A_140 : vector<1x2048xf32> to vector<2048xf32>
    %sub3A_153 = vector.broadcast %broadcast_in_dim3A_140 : vector<1x2048xf32> to vector<20x2048xf32>
    %sub3A_154 = arith.subf %add3A_137, %sub3A_153 : vector<20x2048xf32>
    %exp3A_155 = math.exp %sub3A_154 : vector<20x2048xf32>
    %reduce_sum3A_156 = arith.constant dense<0.000000e+00> : vector<2048xf32>
    %reduce_sum3A_157 = vector.multi_reduction <add>, %exp3A_155, %reduce_sum3A_156 [0] : vector<20x2048xf32> to vector<2048xf32>
    %log3A_158 = math.log %reduce_sum3A_157 : vector<2048xf32>
    %add3A_159 = arith.addf %squeeze3A_152, %log3A_158 : vector<2048xf32>
    %get3A_160 = arith.constant 0 : index
    %get3A_161 = vector.load %arg5[%get3A_160] : memref<2048xi32, #tpu.memory_space<vmem>>, vector<2048xi32>
    %shift_right_arithmetic3A_162 = arith.constant 5 : i32
    %shift_right_arithmetic3A_163 = vector.broadcast %shift_right_arithmetic3A_162 : i32 to vector<2048xi32>
    %shift_right_arithmetic3A_164 = arith.shrsi %get3A_161, %shift_right_arithmetic3A_163 : vector<2048xi32>
    %and3A_165 = arith.constant 31 : i32
    %and3A_166 = vector.broadcast %and3A_165 : i32 to vector<2048xi32>
    %and3A_167 = arith.andi %get3A_161, %and3A_166 : vector<2048xi32>
    %eq3A_168 = arith.constant 0 : i32
    %eq3A_169 = vector.broadcast %eq3A_168 : i32 to vector<2048xi32>
    %eq3A_170 = arith.cmpi eq, %shift_right_arithmetic3A_164, %eq3A_169 : vector<2048xi32>
    %jit3A_171 = arith.constant -1 : i32
    %broadcast_in_dim3A_172 = vector.broadcast %jit3A_171 : i32 to vector<2048xi32>
    %select_n3A_173 = arith.select %eq3A_170, %broadcast_in_dim3A_172, %and3A_167 : vector<2048xi1>, vector<2048xi32>
    %ne3A_174 = arith.constant -1 : i32
    %ne3A_175 = vector.broadcast %ne3A_174 : i32 to vector<2048xi32>
    %ne3A_176 = arith.cmpi ne, %select_n3A_173, %ne3A_175 : vector<2048xi32>
    %jit3A_177 = arith.constant 0 : i32
    %broadcast_in_dim3A_178 = vector.broadcast %jit3A_177 : i32 to vector<2048xi32>
    %select_n3A_179 = arith.select %ne3A_176, %select_n3A_173, %broadcast_in_dim3A_178 : vector<2048xi1>, vector<2048xi32>
    %broadcast_in_dim3A_180 = vector.shape_cast %select_n3A_179 : vector<2048xi32> to vector<1x2048xi32>
    %eq3A_181 = vector.broadcast %broadcast_in_dim3A_180 : vector<1x2048xi32> to vector<20x2048xi32>
    %eq3A_182 = arith.cmpi eq, %iota3A, %eq3A_181 : vector<20x2048xi32>
    %jit3A_183 = arith.constant 0.000000e+00 : f32
    %broadcast_in_dim3A_184 = vector.broadcast %jit3A_183 : f32 to vector<20x2048xf32>
    %select_n3A_185 = arith.select %eq3A_182, %add3A_137, %broadcast_in_dim3A_184 : vector<20x2048xi1>, vector<20x2048xf32>
    %reduce_sum3A_186 = arith.constant dense<0.000000e+00> : vector<2048xf32>
    %reduce_sum3A_187 = vector.multi_reduction <add>, %select_n3A_185, %reduce_sum3A_186 [0] : vector<20x2048xf32> to vector<2048xf32>
    %sub3A_188 = arith.subf %add3A_159, %reduce_sum3A_187 : vector<2048xf32>
    %jit3A_189 = arith.constant 0.000000e+00 : f32
    %broadcast_in_dim3A_190 = vector.broadcast %jit3A_189 : f32 to vector<2048xf32>
    %select_n3A_191 = arith.select %ne3A_176, %sub3A_188, %broadcast_in_dim3A_190 : vector<2048xi1>, vector<2048xf32>
    %reduce_sum3A_192 = vector.shape_cast %select_n3A_191 : vector<2048xf32> to vector<1x2048xf32>
    %reduce_sum3A_193 = arith.constant dense<0.000000e+00> : vector<1xf32>
    %reduce_sum3A_194 = vector.multi_reduction <add>, %reduce_sum3A_192, %reduce_sum3A_193 [1] : vector<1x2048xf32> to vector<1xf32>
    %reduce_sum3A_195 = vector.shape_cast %reduce_sum3A_194 : vector<1xf32> to vector<1x1xf32>
    %reduce_sum3A_196 = vector.extract %reduce_sum3A_195[0, 0] : f32 from vector<1x1xf32>
    %add3A_197 = arith.addf %add3A_126, %reduce_sum3A_196 : f32
    %convert_element_type3A_198 = arith.extui %ne3A_176 : vector<2048xi1> to vector<2048xi32>
    %convert_element_type3A_199 = arith.sitofp %convert_element_type3A_198 : vector<2048xi32> to vector<2048xf32>
    %reduce_sum3A_200 = vector.shape_cast %convert_element_type3A_199 : vector<2048xf32> to vector<1x2048xf32>
    %reduce_sum3A_201 = arith.constant dense<0.000000e+00> : vector<1xf32>
    %reduce_sum3A_202 = vector.multi_reduction <add>, %reduce_sum3A_200, %reduce_sum3A_201 [1] : vector<1x2048xf32> to vector<1xf32>
    %reduce_sum3A_203 = vector.shape_cast %reduce_sum3A_202 : vector<1xf32> to vector<1x1xf32>
    %reduce_sum3A_204 = vector.extract %reduce_sum3A_203[0, 0] : f32 from vector<1x1xf32>
    %add3A_205 = arith.addf %add3A_134, %reduce_sum3A_204 : f32
    %slice3A_206 = vector.extract_strided_slice %transpose3A {offsets = [96, 0], sizes = [20, 2048], strides = [1, 1]} : vector<128x2048xf32> to vector<20x2048xf32>
    %add3A_207 = vector.broadcast %broadcast_in_dim3A : vector<20x1xf32> to vector<20x2048xf32>
    %add3A_208 = arith.addf %slice3A_206, %add3A_207 : vector<20x2048xf32>
    %reduce_max3A_209 = arith.constant dense<0xFF800000> : vector<2048xf32>
    %reduce_max3A_210 = vector.multi_reduction <maximumf>, %add3A_208, %reduce_max3A_209 [0] : vector<20x2048xf32> to vector<2048xf32>
    %broadcast_in_dim3A_211 = vector.shape_cast %reduce_max3A_210 : vector<2048xf32> to vector<1x2048xf32>
    %eq3A_212 = vector.broadcast %broadcast_in_dim3A_211 : vector<1x2048xf32> to vector<20x2048xf32>
    %eq3A_213 = arith.cmpf oeq, %add3A_208, %eq3A_212 : vector<20x2048xf32>
    %jit3A_214 = arith.constant 20 : i32
    %broadcast_in_dim3A_215 = vector.broadcast %jit3A_214 : i32 to vector<20x2048xi32>
    %select_n3A_216 = arith.select %eq3A_213, %iota3A, %broadcast_in_dim3A_215 : vector<20x2048xi1>, vector<20x2048xi32>
    %reduce_min3A_217 = arith.constant dense<2147483647> : vector<2048xi32>
    %reduce_min3A_218 = vector.multi_reduction <minsi>, %select_n3A_216, %reduce_min3A_217 [0] : vector<20x2048xi32> to vector<2048xi32>
    %shift_left3A_219 = arith.constant 15 : i32
    %shift_left3A_220 = vector.broadcast %shift_left3A_219 : i32 to vector<2048xi32>
    %shift_left3A_221 = arith.shli %reduce_min3A_218, %shift_left3A_220 : vector<2048xi32>
    %or3A_222 = arith.ori %or3A_151, %shift_left3A_221 : vector<2048xi32>
    %squeeze3A_223 = vector.shape_cast %broadcast_in_dim3A_211 : vector<1x2048xf32> to vector<2048xf32>
    %sub3A_224 = vector.broadcast %broadcast_in_dim3A_211 : vector<1x2048xf32> to vector<20x2048xf32>
    %sub3A_225 = arith.subf %add3A_208, %sub3A_224 : vector<20x2048xf32>
    %exp3A_226 = math.exp %sub3A_225 : vector<20x2048xf32>
    %reduce_sum3A_227 = arith.constant dense<0.000000e+00> : vector<2048xf32>
    %reduce_sum3A_228 = vector.multi_reduction <add>, %exp3A_226, %reduce_sum3A_227 [0] : vector<20x2048xf32> to vector<2048xf32>
    %log3A_229 = math.log %reduce_sum3A_228 : vector<2048xf32>
    %add3A_230 = arith.addf %squeeze3A_223, %log3A_229 : vector<2048xf32>
    %get3A_231 = arith.constant 0 : index
    %get3A_232 = vector.load %arg6[%get3A_231] : memref<2048xi32, #tpu.memory_space<vmem>>, vector<2048xi32>
    %shift_right_arithmetic3A_233 = arith.constant 5 : i32
    %shift_right_arithmetic3A_234 = vector.broadcast %shift_right_arithmetic3A_233 : i32 to vector<2048xi32>
    %shift_right_arithmetic3A_235 = arith.shrsi %get3A_232, %shift_right_arithmetic3A_234 : vector<2048xi32>
    %and3A_236 = arith.constant 31 : i32
    %and3A_237 = vector.broadcast %and3A_236 : i32 to vector<2048xi32>
    %and3A_238 = arith.andi %get3A_232, %and3A_237 : vector<2048xi32>
    %eq3A_239 = arith.constant 0 : i32
    %eq3A_240 = vector.broadcast %eq3A_239 : i32 to vector<2048xi32>
    %eq3A_241 = arith.cmpi eq, %shift_right_arithmetic3A_235, %eq3A_240 : vector<2048xi32>
    %jit3A_242 = arith.constant -1 : i32
    %broadcast_in_dim3A_243 = vector.broadcast %jit3A_242 : i32 to vector<2048xi32>
    %select_n3A_244 = arith.select %eq3A_241, %broadcast_in_dim3A_243, %and3A_238 : vector<2048xi1>, vector<2048xi32>
    %ne3A_245 = arith.constant -1 : i32
    %ne3A_246 = vector.broadcast %ne3A_245 : i32 to vector<2048xi32>
    %ne3A_247 = arith.cmpi ne, %select_n3A_244, %ne3A_246 : vector<2048xi32>
    %jit3A_248 = arith.constant 0 : i32
    %broadcast_in_dim3A_249 = vector.broadcast %jit3A_248 : i32 to vector<2048xi32>
    %select_n3A_250 = arith.select %ne3A_247, %select_n3A_244, %broadcast_in_dim3A_249 : vector<2048xi1>, vector<2048xi32>
    %broadcast_in_dim3A_251 = vector.shape_cast %select_n3A_250 : vector<2048xi32> to vector<1x2048xi32>
    %eq3A_252 = vector.broadcast %broadcast_in_dim3A_251 : vector<1x2048xi32> to vector<20x2048xi32>
    %eq3A_253 = arith.cmpi eq, %iota3A, %eq3A_252 : vector<20x2048xi32>
    %jit3A_254 = arith.constant 0.000000e+00 : f32
    %broadcast_in_dim3A_255 = vector.broadcast %jit3A_254 : f32 to vector<20x2048xf32>
    %select_n3A_256 = arith.select %eq3A_253, %add3A_208, %broadcast_in_dim3A_255 : vector<20x2048xi1>, vector<20x2048xf32>
    %reduce_sum3A_257 = arith.constant dense<0.000000e+00> : vector<2048xf32>
    %reduce_sum3A_258 = vector.multi_reduction <add>, %select_n3A_256, %reduce_sum3A_257 [0] : vector<20x2048xf32> to vector<2048xf32>
    %sub3A_259 = arith.subf %add3A_230, %reduce_sum3A_258 : vector<2048xf32>
    %jit3A_260 = arith.constant 0.000000e+00 : f32
    %broadcast_in_dim3A_261 = vector.broadcast %jit3A_260 : f32 to vector<2048xf32>
    %select_n3A_262 = arith.select %ne3A_247, %sub3A_259, %broadcast_in_dim3A_261 : vector<2048xi1>, vector<2048xf32>
    %reduce_sum3A_263 = vector.shape_cast %select_n3A_262 : vector<2048xf32> to vector<1x2048xf32>
    %reduce_sum3A_264 = arith.constant dense<0.000000e+00> : vector<1xf32>
    %reduce_sum3A_265 = vector.multi_reduction <add>, %reduce_sum3A_263, %reduce_sum3A_264 [1] : vector<1x2048xf32> to vector<1xf32>
    %reduce_sum3A_266 = vector.shape_cast %reduce_sum3A_265 : vector<1xf32> to vector<1x1xf32>
    %reduce_sum3A_267 = vector.extract %reduce_sum3A_266[0, 0] : f32 from vector<1x1xf32>
    %add3A_268 = arith.addf %add3A_197, %reduce_sum3A_267 : f32
    %convert_element_type3A_269 = arith.extui %ne3A_247 : vector<2048xi1> to vector<2048xi32>
    %convert_element_type3A_270 = arith.sitofp %convert_element_type3A_269 : vector<2048xi32> to vector<2048xf32>
    %reduce_sum3A_271 = vector.shape_cast %convert_element_type3A_270 : vector<2048xf32> to vector<1x2048xf32>
    %reduce_sum3A_272 = arith.constant dense<0.000000e+00> : vector<1xf32>
    %reduce_sum3A_273 = vector.multi_reduction <add>, %reduce_sum3A_271, %reduce_sum3A_272 [1] : vector<1x2048xf32> to vector<1xf32>
    %reduce_sum3A_274 = vector.shape_cast %reduce_sum3A_273 : vector<1xf32> to vector<1x1xf32>
    %reduce_sum3A_275 = vector.extract %reduce_sum3A_274[0, 0] : f32 from vector<1x1xf32>
    %add3A_276 = arith.addf %add3A_205, %reduce_sum3A_275 : f32
    %swap3A = arith.constant 0 : index
    %swap3A_277 = vector.load %arg7[%swap3A] : memref<2048xi32, #tpu.memory_space<vmem>>, vector<2048xi32>
    tpu.vector_store %arg7[%swap3A], %or3A_222 {strides = array<i32>} : memref<2048xi32, #tpu.memory_space<vmem>>, vector<2048xi32>,
    %get3A_278 = arith.constant 0 : index
    %get3A_279 = memref.load %arg9[%get3A_278] : memref<2xf32, #tpu.memory_space<smem>>
    %add3A_280 = arith.addf %get3A_279, %add3A_268 : f32
    %swap3A_281 = arith.constant 0 : index
    %swap3A_282 = memref.load %arg9[%swap3A_281] : memref<2xf32, #tpu.memory_space<smem>>
    memref.store %add3A_280, %arg9[%swap3A_281] : memref<2xf32, #tpu.memory_space<smem>>
    %get3A_283 = arith.constant 1 : index
    %get3A_284 = memref.load %arg9[%get3A_283] : memref<2xf32, #tpu.memory_space<smem>>
    %add3A_285 = arith.addf %get3A_284, %add3A_276 : f32
    %swap3A_286 = arith.constant 1 : index
    %swap3A_287 = memref.load %arg9[%swap3A_286] : memref<2xf32, #tpu.memory_space<smem>>
    memref.store %add3A_285, %arg9[%swap3A_286] : memref<2xf32, #tpu.memory_space<smem>>
    %eq3A_288 = arith.constant 24 : i32
    %eq3A_289 = arith.cmpi eq, %arg0, %eq3A_288 : i32
    %convert_element_type3A_290 = arith.extui %eq3A_289 : i1 to i32
    %cond3A_291 = arith.constant 0 : i32
    %cond3A_292 = arith.cmpi ne, %convert_element_type3A_290, %cond3A_291 : i32
    scf.if %cond3A_292 {
      %get3A_293 = arith.constant 0 : index
      %get3A_294 = memref.load %arg9[%get3A_293] : memref<2xf32, #tpu.memory_space<smem>>
      %get3A_295 = arith.constant 1 : index
      %get3A_296 = memref.load %arg9[%get3A_295] : memref<2xf32, #tpu.memory_space<smem>>
      %max3A = arith.constant 1.000000e+00 : f32
      %max3A_297 = arith.maximumf %get3A_296, %max3A : f32
      %div3A = arith.divf %get3A_294, %max3A_297 : f32
      %swap3A_298 = arith.constant 0 : index
      %swap3A_299 = arith.constant 0 : index
      %swap3A_300 = memref.load %arg8[%swap3A_298, %swap3A_299] : memref<1x1xf32, #tpu.memory_space<smem>>
      memref.store %div3A, %arg8[%swap3A_298, %swap3A_299] : memref<1x1xf32, #tpu.memory_space<smem>>
    } else {
    }
    return
  }
  func.func @transform_0(%arg0: i32) -> i32 {
    %c0_i32 = arith.constant 0 : i32
    return %arg0 : i32
  }
  func.func @transform_1(%arg0: i32) -> i32 {
    %c0_i32 = arith.constant 0 : i32
    %c0_i32_0 = arith.constant 0 : i32
    return %c0_i32 : i32
  }
  func.func @transform_2(%arg0: i32) -> i32 {
    %c0_i32 = arith.constant 0 : i32
    return %arg0 : i32
  }
  func.func @transform_3(%arg0: i32) -> i32 {
    %c0_i32 = arith.constant 0 : i32
    return %arg0 : i32
  }
  func.func @transform_4(%arg0: i32) -> i32 {
    %c0_i32 = arith.constant 0 : i32
    return %arg0 : i32
  }
  func.func @transform_5(%arg0: i32) -> i32 {
    %c0_i32 = arith.constant 0 : i32
    return %arg0 : i32
  }
  func.func @transform_6(%arg0: i32) -> i32 {
    %c0_i32 = arith.constant 0 : i32
    return %arg0 : i32
  }
  func.func @transform_7(%arg0: i32) -> (i32, i32) {
    %c0_i32 = arith.constant 0 : i32
    %c0_i32_0 = arith.constant 0 : i32
    %c0_i32_1 = arith.constant 0 : i32
    return %c0_i32, %c0_i32_0 : i32, i32
  }
}

</mosaic_0001>

<sc_bundles>
// kernel: kernel.5.cloned.1.call-start
scs
__scs_entry_jumppad:
0x0: {  	(pc) =	sbr.rel $0x88, $3  }
0x1: {  	(tag) =	ssettag $0x0;
	lr =	simm.s32 $0x1  }
0x2: {  	[smem:$0x3F9B] =	sst lr;
	_ =	strace $0xD0000000  }
0x3: {  	_ = 	snop  }
0x4: {  	_ = 	snop  }
0x5: {  	_ = 	snop  }
0x6: {  	_ = 	snop  }
0x7: {  	_ = 	snop  }
__scs_overlays_trampoline_lowered:
0x8: {  	[smem:$0x3FAA] =	sst s0  }
0x9: {  	[smem:$0x3FAB] =	sst s1  }
0xa: {  	[smem:$0x3FAC] =	sst s2  }
0xb: {  	[smem:$0x3FAD] =	sst s3  }
0xc: {  	[smem:$0x3FAE] =	sst s4  }
0xd: {  	[smem:$0x3FAF] =	sst s5  }
0xe: {  	[smem:$0x3FB0] =	sst s6  }
0xf: {  	[smem:$0x3FB1] =	sst s7  }
0x10: {  	[smem:$0x3FB2] =	sst s8  }
0x11: {  	[smem:$0x3FB3] =	sst s9;
	s0 =	simm.s32 @!p0 $0x0  }
0x12: {  	s1 =	sld [smem:$0x3F99];
	s0 =	simm.s32 @p0 $0x1  }
0x13: {  	[smem:$0x3FB4] =	sst s0;
	s0 =	simm.s32 @!p1 $0x0  }
0x14: {  	s2 =	sld [smem:$0x3F98];
	s0 =	simm.s32 @p1 $0x1  }
0x15: {  	[smem:$0x3FB5] =	sst s0;
	s0 =	simm.s32 @!p2 $0x0  }
0x16: {  	s3 =	sld [smem:$0x3FDB];
	s0 =	simm.s32 @p2 $0x1  }
0x17: {  	s4 =	simm.s32 $0x1BF5;
	[smem:$0x3FB7] =	sst s0  }
0x18: {  	s0 =	sld [smem:$0x3F9A];
	_ =	swait.ge [sflag:s4], $0x0  }
0x19: {  	s7 =	sld [smem:$0x3F9B]  }
0x1a: {  	s8 =	sadd.s32 $0xFFFFE003, lr  }
0x1b: {  	s9 =	sadd.s32 $0xFFFFFEF7, lr;
	s5 =	simm.s32 $0xFFFFFFFF;
	p2 =	slt.u32 s8, $0xFFFFF086  }
0x1c: {  	p1 =	slt.u32 s9, $0xF7A;
	s5 =	simm.s32 @!p2 $0x0  }
0x1d: {  	s5 =	simm.s32 @p1 $0x1;
	p0 =	seq.s32 s7, s2  }
0x1e: {  	s7 =	smul.u32 @!p0 $0xF7A, s2;
	p2 =	seq.s32 @!p0 s5, $0x0  }
0x1f: {  	s9 =	smul.u32 $0xF7A, s1;
	s8 =	simm.s32 @!p0 $0x1BF5;
	p2 =	por !p2, p0  }
0x20: {  	[sflag:s8] =	ssyncset.s32 @!p0 $0xFFFFF086;
	s6 =	sadd.s32 @!p0 s3, s7;
	s7 =	simm.s32 @!p0 $0x108  }
0x21: {  	s3 =	sadd.s32 s3, s9;
	s6 =	sadd.s32 @!p0 $0x88, s6;
	s7 =	simm.s32 @p2 $0x1082  }
0x22: {  	[simem:s7], [sflag:s8] =	dma.local @!p0 [hbm:s6], $0xF7A  }
0x23: {  	s9 =	sor.u32 $0xD0000000, s2;
	s6 =	simm.s32 $0x108;
	_ =	swait.ge @!p0 [sflag:s8], $0x0  }
0x24: {  	s3 =	sadd.s32 $0x88, s3;
	s6 =	simm.s32 @!p1 $0x1082;
	[sflag:s4] =	ssyncset.s32 $0xFFFFF086  }
0x25: {  	[simem:s6], [sflag:s4] =	dma.local [hbm:s3], $0xF7A  }
0x26: {  	[smem:$0x3F9B] =	sst s1;
	(tag) =	ssettag s2;
	_ =	strace s9  }
0x27: {  	s1 =	sld [smem:$0x3FAB]  }
0x28: {  	s2 =	sld [smem:$0x3FAC]  }
0x29: {  	s4 =	sld [smem:$0x3FAE]  }
0x2a: {  	p0 =	seq.s32 s5, $0x0;
	s5 =	sld [smem:$0x3FAF]  }
0x2b: {  	s6 =	sld [smem:$0x3FB0]  }
0x2c: {  	s7 =	sld [smem:$0x3FB1]  }
0x2d: {  	s3 =	simm.s32 $0x108;
	s8 =	sld [smem:$0x3FB2]  }
0x2e: {  	s3 =	simm.s32 @!p0 $0x1082;
	s9 =	sld [smem:$0x3FB3]  }
0x2f: {  	lr =	sadd.s32 s0, s3;
	s0 =	sld [smem:$0x3FAA]  }
0x30: {  	s3 =	sld [smem:$0x3FAD]  }
0x31: {  	[smem:$0x3FB6] =	sst s10  }
0x32: {  	s10 =	sld [smem:$0x3FB4];
	_ =	sdelay $0x3  }
0x33: {  	p0 =	seq.s32 s10, $0x1;
	s10 =	sld [smem:$0x3FB6];
	_ =	sdelay $0x3  }
0x34: {  	[smem:$0x3FB6] =	sst s10  }
0x35: {  	s10 =	sld [smem:$0x3FB5];
	_ =	sdelay $0x3  }
0x36: {  	p1 =	seq.s32 s10, $0x1;
	s10 =	sld [smem:$0x3FB6];
	_ =	sdelay $0x3  }
0x37: {  	[smem:$0x3FB6] =	sst s10  }
0x38: {  	s10 =	sld [smem:$0x3FB7]  }
0x39: {  	_ = 	snop;
	(pc) =	sbr.ind lr, $3  }
0x3a: {  	_ = 	snop  }
0x3b: {  	_ = 	snop  }
0x3c: {  	p2 =	seq.s32 s10, $0x1;
	s10 =	sld [smem:$0x3FB6]  }
0x3d: {  	_ =	shalt  }
0x3e: {  	_ =	shalt  }
0x3f: {  	_ =	shalt  }
0x40: {  	_ =	shalt  }
0x41: {  	_ =	shalt  }
0x42: {  	_ =	shalt  }
0x43: {  	_ =	shalt  }
0x44: {  	_ =	shalt  }
0x45: {  	_ =	shalt  }
0x46: {  	_ =	shalt  }
0x47: {  	_ =	shalt  }
0x48: {  	_ =	shalt  }
0x49: {  	_ =	shalt  }
0x4a: {  	_ =	shalt  }
0x4b: {  	_ =	shalt  }
0x4c: {  	_ =	shalt  }
0x4d: {  	_ =	shalt  }
0x4e: {  	_ =	shalt  }
0x4f: {  	_ =	shalt  }
0x50: {  	_ =	shalt  }
0x51: {  	_ =	shalt  }
0x52: {  	_ =	shalt  }
0x53: {  	_ =	shalt  }
0x54: {  	_ =	shalt  }
0x55: {  	_ =	shalt  }
0x56: {  	_ =	shalt  }
0x57: {  	_ =	shalt  }
0x58: {  	_ =	shalt  }
0x59: {  	_ =	shalt  }
0x5a: {  	_ =	shalt  }
0x5b: {  	_ =	shalt  }
0x5c: {  	_ =	shalt  }
0x5d: {  	_ =	shalt  }
0x5e: {  	_ =	shalt  }
0x5f: {  	_ =	shalt  }
0x60: {  	_ =	shalt  }
0x61: {  	_ =	shalt  }
0x62: {  	_ =	shalt  }
0x63: {  	_ =	shalt  }
0x64: {  	_ =	shalt  }
0x65: {  	_ =	shalt  }
0x66: {  	_ =	shalt  }
0x67: {  	_ =	shalt  }
0x68: {  	_ =	shalt  }
0x69: {  	_ =	shalt  }
0x6a: {  	_ =	shalt  }
0x6b: {  	_ =	shalt  }
0x6c: {  	_ =	shalt  }
0x6d: {  	_ =	shalt  }
0x6e: {  	_ =	shalt  }
0x6f: {  	_ =	shalt  }
0x70: {  	_ =	shalt  }
0x71: {  	_ =	shalt  }
0x72: {  	_ =	shalt  }
0x73: {  	_ =	shalt  }
0x74: {  	_ =	shalt  }
0x75: {  	_ =	shalt  }
0x76: {  	_ =	shalt  }
0x77: {  	_ =	shalt  }
0x78: {  	_ =	shalt  }
0x79: {  	_ =	shalt  }
0x7a: {  	_ =	shalt  }
0x7b: {  	_ =	shalt  }
0x7c: {  	_ =	shalt  }
0x7d: {  	_ =	shalt  }
0x7e: {  	_ =	shalt  }
0x7f: {  	_ =	shalt  }
0x80: {  	_ =	shalt  }
0x81: {  	_ =	shalt  }
0x82: {  	_ =	shalt  }
0x83: {  	_ =	shalt  }
0x84: {  	_ =	shalt  }
0x85: {  	_ =	shalt  }
0x86: {  	_ =	shalt  }
0x87: {  	_ =	shalt  }
.Lfunc_end0:
.L_simem_size_0:
called_computation_lowered:
.L_overlay_start_0:
0x88: {  	s2 =	sld [smem:$0x3FD9]  }
0x89: {  	s3 =	sld [smem:$0x3FFE];
	_ =	sdelay $0x1  }
0x8a: {  	s1 =	srdreg.scid  }
0x8b: {  	s0 =	sand.u32 $0x1, s1  }
0x8c: {  	s14 =	sshll.u32 s0, $0xA;
	s2 =	sadd.s32 s3, s2  }
0x8d: {  	s2 =	sadd.s32 s2, s14  }
0x8e: {  	[smem:$0x3FC2] =	sst s2  }
0x8f: {  	_ = 	snop  }
0x90: {  	s2 =	sld [smem:$0x3FD0];
	_ =	sdelay $0x2  }
0x91: {  	s15 =	simm.s32 $0xA;
	s4 =	simm.s32 $0x10  }
0x92: {  	[smem:s4], [sflag:s15] =	dma.local [hbm:s2], $0x1  }
0x93: {  	_ =	swait.eq [sflag:s15], $0x1  }
0x94: {  	[sflag:s15] =	ssyncset.done $0x0  }
0x95: {  	[sflag:s15] =	ssyncadd.s32 $0xFFFFFFFF  }
0x96: {  	s16 =	sld [smem:$0x10];
	(tm) =	ssettm $0x1  }
0x97: {  	s17 =	sld [smem:$0x3FFB];
	_ =	sdelay $0x3  }
0x98: {  	_ =	strace s17  }
0x99: {  	s3 =	sld [smem:$0x3FFC];
	_ =	sdelay $0x3  }
0x9a: {  	_ =	strace s3  }
0x9b: {  	s3 =	sld [smem:$0x3FFD];
	_ =	sdelay $0x3  }
0x9c: {  	_ =	strace s3  }
0x9d: {  	_ =	strace $0x8FFFFFFF  }
0x9e: {  	s18 =	sld [smem:$0x3FDB];
	_ =	sdelay $0x1  }
0x9f: {  	s19 =	simm.s32 $_scs_section_size  }
0xa0: {  	s5 =	simm.s32 $_size__tile_overlayer_lowered;
	s6 =	simm.s32 $_tile_overlayer_lowered  }
0xa1: {  	s22 =	simm.s32 $0x1BFF;
	s21 =	sshll.u32 s6, $0x1;
	s3 =	sadd.s32 s19, s18  }
0xa2: {  	s7 =	simm.s32 $0x0;
	s20 =	sshll.u32 s5, $0x1;
	s5 =	sadd.s32 s21, s3  }
0xa3: {  	[timem:s7], [sflag:s22] =	dma.local [hbm:s5], s20  }
0xa4: {  	_ =	swait.ge [sflag:s22], s20  }
0xa5: {  	s4 =	ssub.s32 $0x0, s20;
	[sflag:s22] =	ssyncset.done $0x0  }
0xa6: {  	[sflag:s22] =	ssyncadd.s32 s4;
	_ =	sdelay $0x1  }
0xa7: {  	s23 =	simm.s32 $0x1B8B  }
0xa8: {  	_ =	swait.ge [sflag:s23], $0x1  }
0xa9: {  	[sflag:s23] =	ssyncset.done $0x0  }
0xaa: {  	s25 =	simm.s32 $0x1B8E;
	s24 =	sld [smem:$0x3FFE];
	[sflag:s23] =	ssyncadd.s32 $0xFFFFFFFF  }
0xab: {  	s26 =	simm.s32 $execute0_lowered;
	[smem:$0x3FD2] =	sst s25  }
0xac: {  	s5 =	sshll.u32 s26, $0x1;
	_ =	strace $0x80000046;
	[dreg:$0x1] =	wrdreg $0xFFFFFFFF  }
0xad: {  	s28 =	simm.s32 $_size_execute0_lowered;
	s3 =	sadd.s32 s3, s5;
	[dreg:$0x0] =	wrdreg $0x0  }
0xae: {  	s5 =	sshll.u32 s28, $0x1;
	[dreg:$0x2] =	wrdreg s3  }
0xaf: {  	[dreg:$0x3] =	wrdreg s5  }
0xb0: {  	[dreg:$0x4] =	wrdreg $0xC0  }
0xb1: {  	_ =	task [dreg:s7], $0x5FFFF  }
0xb2: {  	[dreg:$0x1] =	wrdreg $0xFFFFFFFF  }
0xb3: {  	[dreg:$0x0] =	wrdreg $0x60  }
0xb4: {  	[dreg:$0x2] =	wrdreg s16  }
0xb5: {  	[dreg:$0x3] =	wrdreg s24  }
0xb6: {  	[dreg:$0x4] =	wrdreg $0x9  }
0xb7: {  	_ =	task.clear_ibuf [dreg:s7], $0x5FFFF;
	_ =	strace $0x90000046  }
0xb8: {  	s29 =	simm.s32 $0x9;
	_ =	strace $0x80000048  }
0xb9: {  	_ =	swait.ge [sflag:s29], $0x1  }
0xba: {  	[sflag:s29] =	ssyncadd.s32 $0xFFFFFFFF  }
0xbb: {  	_ =	strace $0x90000048  }
0xbc: {  	_ =	sfence  }
0xbd: {  	s30 =	sld [smem:$0x0];
	_ =	sdelay $0x2  }
0xbe: {  	s31 =	sshll.u32 s1, $0xD;
	s1 =	sshrl.u32 s1, $0x2  }
0xbf: {  	s3 =	sand.u32 $0x4000, s31;
	s1 =	sadd.s32 s1, s30  }
0xc0: {  	s0 =	sor.u32 s3, s0;
	s1 =	sshll.u32 s1, $0x11  }
0xc1: {  	s0 =	sor.u32 s1, s0  }
0xc2: {  	s0 =	sadd.s32 $0x8F2B, s0  }
0xc3: {  	[sflag:s0] =	ssyncadd.remote.s32 $0x1  }
0xc4: {  	_ =	sfence.sel $0xFFFF  }
0xc5: {  	[dreg:$0x0] =	wrdreg $0xFFFFFFFF;
	(pc) =	sbr.abs _section_cstart, $3  }
0xc6: {  	[dreg:$0x1] =	wrdreg $0xFFFFFFFF  }
0xc7: {  	_ =	task.clear_ibuf [dreg:s7], $0x2FFFF;
	_ =	strace $0x9FFFFFFF  }
0xc8: {  	(tm) =	ssettm $0x7FFFFFFF  }
0xc9: {  	_ =	shalt  }
tec
execute0_lowered:
.L_overlay_start_1:
0x0: {  	(tag) =	ssettag $0x1  }
0x1: {  	s0 =	srdreg.scid;
	s13 =	stileid.u32  }
0x2: {  	s0 =	sand.u32 $0x1, s0;
	s19 =	smul.u32 $0x64, s13  }
0x3: {  	s2 =	rddreg [dreg:$0x0];
	s1 =	sshll.u32 s13, $0x1;
	s20 =	smul.u32 $0x32, s0  }
0x4: {  	s1 =	sor.u32 s0, s1;
	s8 =	ssub.s32 $0x2, s0;
	s0 =	smul.u32 $0xC8000, s0  }
0x5: {  	s4 =	rddreg [dreg:$0x1];
	s6 =	simm.s32 $0x0;
	s5 =	smul.u32 $0x1000E, s1  }
0x6: {  	[smem:$0x7FF] =	sst s6;
	s22 =	smul.u32 $0x32, s1  }
0x7: {  	_ =	strace $0x80000047;
	s10 =	sshrl.u32 s8, $0x1;
	s1 =	smul.u32 $0x320, s1  }
0x8: {  	s8 =	ssub.s32 s8, s10;
	s10 =	simm.s32 $0x5;
	s3 =	sadd.s32 $0xE673, s5  }
0x9: {  	s11 =	sadd.s32 $0xEB92, s5;
	s1 =	sadd.s32 s2, s1;
	s26 =	sadd.s32 $0xF0B1, s5  }
0xa: {  	s5 =	sadd.s32 $0xF5D0, s5;
	s31 =	sadd.s32 $0x31, s22;
	s7 =	sshrl.u32 s3, $0x13  }
0xb: {  	s3 =	sadd.s32 $0xE00, s4;
	s28 =	sshrl.u32 s26, $0x13;
	s26 =	smul.u32 $0x190000, s13  }
0xc: {  	s11 =	sshrl.u32 s11, $0x13;
	s4 =	sadd.s32 $0x3E0E00, s4;
	s9 =	smul.u32 $0x3FE70, s7  }
0xd: {  	[dreg:$0x3] =	wrdreg s1;
	s5 =	sshrl.u32 s5, $0x13;
	s12 =	smul.u32 $0x3FE70, s11  }
0xe: {  	s7 =	sshll.u32 s7, $0x5;
	s25 =	sshll.u32 s11, $0x5;
	s30 =	smul.u32 $0x3FE70, s28  }
0xf: {  	s14 =	smul.u32 $0x3FE70, s5;
	s5 =	sshll.u32 s5, $0x5;
	s11 =	simm.s32 $0xA  }
0x10: {  	s0 =	sadd.s32 s0, s26;
	s26 =	simm.s32 $0x20;
	s9 =	sadd.s32 s9, s22  }
0x11: {  	s24 =	sadd.s32 s12, s22;
	s12 =	smul.u32 $0x51F, s31;
	s6 =	sadd.s32 s14, s22  }
0x12: {  	[dreg:$0x13] =	wrdreg s0;
	s9 =	sshll.u32 s9, $0xE;
	s2 =	sshll.u32 s24, $0xE  }
0x13: {  	s6 =	sshll.u32 s6, $0xE;
	s7 =	sadd.s32 s7, s9;
	s2 =	sadd.s32 s25, s2  }
0x14: {  	s16 =	sshrl.u32 s12, $0x13;
	s5 =	sadd.s32 s5, s6;
	s25 =	smax.u32 s8, $0x1  }
0x15: {  	s9 =	simm.s32 $0x4900;
	s8 =	simm.s32 $0x9;
	s23 =	sadd.s32 $0xB4000, s7  }
0x16: {  	s29 =	sadd.s32 $0xB8000, s2;
	s2 =	sadd.s32 s30, s22;
	s7 =	sshll.u32 s28, $0x5  }
0x17: {  	s17 =	smul.u32 $0x3FE70, s16;
	s21 =	sadd.s32 $0xC0000, s5;
	s22 =	sadd.s32 s20, s19  }
0x18: {  	[dreg:$0xb] =	wrdreg s25;
	s1 =	sshrl.u32 s23, $0x3;
	s2 =	sshll.u32 s2, $0xE  }
0x19: {  	s24 =	sadd.s32 $0x4, s22;
	s28 =	sadd.s32 $0x3, s22;
	[dreg:$0x7] =	wrdreg s22  }
0x1a: {  	s1 =	sadd.s32 s4, s1;
	s15 =	sadd.s32 s7, s2;
	[dreg:$0xa] =	wrdreg s24  }
0x1b: {  	s18 =	sadd.s32 s31, s17;
	s2 =	sshll.u32 s16, $0x5;
	[dreg:$0xd] =	wrdreg s28  }
0x1c: {  	s31 =	sor.u32 $0x1, s22;
	[dreg:$0x4] =	wrdreg s1;
	s1 =	sshrl.u32 s29, $0x3  }
0x1d: {  	s6 =	sshll.u32 s18, $0xE;
	s29 =	sadd.s32 $0x2, s22;
	[dreg:$0x11] =	wrdreg s31  }
0x1e: {  	s1 =	sadd.s32 s4, s1;
	s2 =	sor.u32 s2, s6;
	[dreg:$0xe] =	wrdreg s29  }
0x1f: {  	s30 =	sshll.u32 s29, $0xE;
	[dreg:$0x5] =	wrdreg s1;
	s2 =	sshrl.u32 s2, $0x3  }
0x20: {  	s1 =	sadd.s32 $0xBC000, s15;
	[dreg:$0x10] =	wrdreg s30;
	s23 =	sadd.s32 s4, s2  }
0x21: {  	s1 =	sshrl.u32 s1, $0x3;
	s2 =	sshll.u32 s28, $0xE;
	[dreg:$0x9] =	wrdreg s23  }
0x22: {  	s5 =	simm.s32 $0x5900;
	s1 =	sadd.s32 s4, s1;
	[dreg:$0xf] =	wrdreg s2  }
0x23: {  	s2 =	sshll.u32 s31, $0xE;
	[dreg:$0x6] =	wrdreg s1;
	s1 =	sshrl.u32 s21, $0x3  }
0x24: {  	s7 =	simm.s32 $0x4;
	[dreg:$0x12] =	wrdreg s2;
	s1 =	sadd.s32 s4, s1  }
0x25: {  	s6 =	simm.s32 $0x8;
	[dreg:$0x8] =	wrdreg s1;
	s1 =	sshll.u32 s24, $0xE  }
0x26: {  	s23 =	simm.s32 $0x80;
	[dreg:$0xc] =	wrdreg s1;
	s1 =	simm.s32 $0x0  }
.LBB2_1:
0x27: {  	[dreg:$0x14] =	wrdreg s1  }
0x28: {  	s0 =	simm.s32 $0x0;
	s31 =	rddreg [dreg:$0x3];
	s2 =	simm.s32 $0xB  }
0x29: {  	[tilespmem:s0], [sflag:$0xB] =	stream.linear.gather [hbm4b:s31+s0], $0x1900, $0x38;
	[tilespmem:$0x6900] =	vst v63  }
0x2a: {  	s15 =	simm.s32 $0x1900;
	_ =	swait.ge [sflag:s2], $0x1900  }
0x2b: {  	s20 =	simm.s32 $0x2900;
	s12 =	simm.s32 $0x100;
	[sflag:s2] =	ssyncset.done $0x0  }
0x2c: {  	s13 =	simm.s32 $0x180;
	s16 =	simm.s32 $0x200;
	[sflag:s2] =	ssyncadd.s32 $0xFFFFE700  }
0x2d: {  	[tilespmem:s15], [sflag:$0x1] =	stream.indirect.gather [hbm4b:s3+s23], $0x20, s0, s23, $0xb8;
	[tilespmem:$0x6900] =	vst v63  }
0x2e: {  	s17 =	simm.s32 $0x1;
	s24 =	simm.s32 $0xA00;
	s0 =	rddreg [dreg:$0x7]  }
0x2f: {  	[tilespmem:s20], [sflag:$0x2] =	stream.indirect.gather [hbm4b:s3+s23], $0x20, s23, s23, $0xb8;
	[tilespmem:$0x6900] =	vst v63  }
0x30: {  	s1 =	rddreg [dreg:$0xa];
	s2 =	simm.s32 $0x3900;
	s14 =	smulhi.u32 $0x51EB851F, s0  }
0x31: {  	[tilespmem:s2], [sflag:$0x3] =	stream.indirect.gather [hbm4b:s3+s23], $0x20, s12, s23, $0xb8;
	[tilespmem:$0x6900] =	vst v63  }
0x32: {  	s22 =	simm.s32 $0x6;
	s18 =	rddreg [dreg:$0xe];
	s12 =	smulhi.u32 $0x51EB851F, s1  }
0x33: {  	[tilespmem:s9], [sflag:$0x4] =	stream.indirect.gather [hbm4b:s3+s23], $0x20, s13, s23, $0xb8;
	[tilespmem:$0x6900] =	vst v63  }
0x34: {  	s30 =	simm.s32 $0x380;
	s9 =	sshrl.u32 s14, $0x7;
	s13 =	smulhi.u32 $0x51EB851F, s18  }
0x35: {  	s31 =	simm.s32 $0x280;
	s25 =	rddreg [dreg:$0x13];
	s9 =	smul.u32 $0x63FFE0, s9  }
0x36: {  	[tilespmem:s5], [sflag:$0x5] =	stream.indirect.gather [hbm4b:s3+s23], $0x20, s16, s23, $0xb8;
	[tilespmem:$0x6900] =	vst v63  }
0x37: {  	s21 =	sshrl.u32 s13, $0x7;
	s9 =	ssub.s32 s25, s9;
	_ =	swait.ge [sflag:s17], $0x1000  }
0x38: {  	s9 =	sshrl.u32 s9, $0x3;
	[sflag:s17] =	ssyncset.done $0x0;
	s19 =	rddreg [dreg:$0x11]  }
0x39: {  	s14 =	smulhi.u32 $0x51EB851F, s19;
	[sflag:s17] =	ssyncadd.s32 $0xFFFFF000;
	s9 =	sadd.s32 s4, s9  }
0x3a: {  	[hbm4b:s9+s26] =	stream.strided.scatter [tilespmem:s15], [sflag:$0x6], $0x1000, s23, s26, $0x38;
	[tilespmem:$0x6900] =	vst v63  }
0x3b: {  	s18 =	sadd.s32 $0x5, s18;
	s9 =	sshrl.u32 s12, $0x7;
	s12 =	smul.u32 $0x63FFE0, s21  }
0x3c: {  	_ =	swait.ge [sflag:s22], $0x1000;
	s29 =	sshrl.u32 s14, $0x7;
	s14 =	simm.s32 $0x2  }
0x3d: {  	[sflag:s22] =	ssyncset.done $0x0;
	s13 =	smul.u32 $0x63FFE0, s29;
	s17 =	rddreg [dreg:$0x10]  }
0x3e: {  	s21 =	rddreg [dreg:$0x12];
	s29 =	simm.s32 $0x7;
	[sflag:s22] =	ssyncadd.s32 $0xFFFFF000  }
0x3f: {  	[tilespmem:s15], [sflag:$0x1] =	stream.indirect.gather [hbm4b:s3+s23], $0x20, s31, s23, $0xb8;
	[tilespmem:$0x6900] =	vst v63  }
0x40: {  	s12 =	ssub.s32 s17, s12;
	s13 =	ssub.s32 s21, s13;
	_ =	swait.ge [sflag:s14], $0x1000  }
0x41: {  	s13 =	sshrl.u32 s13, $0x3;
	s16 =	rddreg [dreg:$0xd];
	[sflag:s14] =	ssyncset.done $0x0  }
0x42: {  	s13 =	sadd.s32 s4, s13;
	s15 =	smulhi.u32 $0x51EB851F, s16;
	[sflag:s14] =	ssyncadd.s32 $0xFFFFF000  }
0x43: {  	[hbm4b:s13+s26] =	stream.strided.scatter [tilespmem:s20], [sflag:$0x7], $0x1000, s23, s26, $0x38;
	[tilespmem:$0x6900] =	vst v63  }
0x44: {  	s9 =	smul.u32 $0x63FFE0, s9;
	s12 =	sshrl.u32 s12, $0x3;
	_ =	swait.ge [sflag:s29], $0x1000  }
0x45: {  	s31 =	simm.s32 $0x300;
	s22 =	sshrl.u32 s15, $0x7;
	s15 =	rddreg [dreg:$0xc]  }
0x46: {  	s14 =	smul.u32 $0x63FFE0, s22;
	[sflag:s29] =	ssyncset.done $0x0;
	s22 =	simm.s32 $0x0  }
0x47: {  	s9 =	ssub.s32 s15, s9;
	[sflag:s29] =	ssyncadd.s32 $0xFFFFF000;
	s29 =	simm.s32 $0x3  }
0x48: {  	[tilespmem:s20], [sflag:$0x2] =	stream.indirect.gather [hbm4b:s3+s23], $0x20, s31, s23, $0xb8;
	[tilespmem:$0x6900] =	vst v63  }
0x49: {  	s13 =	sshrl.u32 s9, $0x3;
	s20 =	rddreg [dreg:$0xf];
	s31 =	sadd.s32 s4, s12  }
0x4a: {  	s12 =	sadd.s32 $0x14000, s17;
	s17 =	sadd.s32 $0x14000, s15;
	_ =	swait.ge [sflag:s29], $0x1000  }
0x4b: {  	s15 =	sadd.s32 $0x5, s16;
	s16 =	sadd.s32 $0x5, s0;
	[sflag:s29] =	ssyncset.done $0x0  }
0x4c: {  	s9 =	smov.u32 s25;
	s28 =	ssub.s32 s20, s14;
	[sflag:s29] =	ssyncadd.s32 $0xFFFFF000  }
0x4d: {  	[hbm4b:s31+s26] =	stream.strided.scatter [tilespmem:s2], [sflag:$0x8], $0x1000, s23, s26, $0x38;
	[tilespmem:$0x6900] =	vst v63  }
0x4e: {  	s14 =	sadd.s32 $0x14000, s20;
	s20 =	sadd.s32 $0x5, s1;
	_ =	swait.ge [sflag:s6], $0x1000  }
.LBB2_2:
0x4f: {  	s1 =	smulhi.u32 $0x51EB851F, s20;
	[sflag:s6] =	ssyncset.done $0x0  }
0x50: {  	s25 =	sshrl.u32 s28, $0x3;
	s28 =	smov.u32 s24;
	s21 =	sadd.s32 $0x14000, s21  }
0x51: {  	s9 =	sadd.s32 $0x14000, s9;
	s2 =	simm.s32 $0x3900;
	s19 =	sadd.s32 $0x5, s19  }
0x52: {  	s5 =	simm.s32 $0x4900;
	s29 =	sadd.s32 $0x400, s22;
	[sflag:s6] =	ssyncadd.s32 $0xFFFFF000  }
0x53: {  	[tilespmem:s2], [sflag:$0x3] =	stream.indirect.gather [hbm4b:s3+s23], $0x20, s30, s23, $0xb8;
	[tilespmem:$0x6900] =	vst v63  }
0x54: {  	s0 =	sadd.s32 s4, s25;
	s30 =	smulhi.u32 $0x51EB851F, s18;
	_ =	swait.ge [sflag:s7], $0x1000  }
0x55: {  	s31 =	smulhi.u32 $0x51EB851F, s16;
	s25 =	sadd.s32 $0xA00, s24;
	[sflag:s7] =	ssyncset.done $0x0  }
0x56: {  	s1 =	sshrl.u32 s1, $0x7;
	s30 =	sshrl.u32 s30, $0x7;
	[sflag:s7] =	ssyncadd.s32 $0xFFFFF000  }
0x57: {  	[hbm4b:s0+s26] =	stream.strided.scatter [tilespmem:s5], [sflag:$0x9], $0x1000, s23, s26, $0x38;
	[tilespmem:$0x6900] =	vst v63  }
0x58: {  	s13 =	sadd.s32 s4, s13;
	s0 =	smulhi.u32 $0x51EB851F, s19;
	_ =	swait.ge [sflag:s8], $0x1000  }
0x59: {  	s31 =	sshrl.u32 s31, $0x7;
	s30 =	smul.u32 $0x63FFE0, s30;
	[sflag:s8] =	ssyncset.done $0x0  }
0x5a: {  	s31 =	smul.u32 $0x63FFE0, s31;
	s0 =	sshrl.u32 s0, $0x7;
	[sflag:s8] =	ssyncadd.s32 $0xFFFFF000  }
0x5b: {  	[tilespmem:s5], [sflag:$0x4] =	stream.indirect.gather [hbm4b:s3+s23], $0x20, s29, s23, $0xb8;
	[tilespmem:$0x6900] =	vst v63  }
0x5c: {  	s0 =	smul.u32 $0x63FFE0, s0;
	s29 =	ssub.s32 s12, s30;
	_ =	swait.ge [sflag:s10], $0x1000  }
0x5d: {  	s30 =	smulhi.u32 $0x51EB851F, s15;
	[sflag:s10] =	ssyncset.done $0x0  }
0x5e: {  	s5 =	simm.s32 $0x5900;
	s0 =	ssub.s32 s21, s0;
	[sflag:s10] =	ssyncadd.s32 $0xFFFFF000  }
0x5f: {  	[hbm4b:s13+s26] =	stream.strided.scatter [tilespmem:s5], [sflag:$0xA], $0x1000, s23, s26, $0x38;
	[tilespmem:$0x6900] =	vst v63  }
0x60: {  	s0 =	sshrl.u32 s0, $0x3;
	s13 =	ssub.s32 s9, s31;
	_ =	swait.ge [sflag:s11], $0x1000  }
0x61: {  	s1 =	smul.u32 $0x63FFE0, s1;
	s29 =	sshrl.u32 s29, $0x3;
	[sflag:s11] =	ssyncset.done $0x0  }
0x62: {  	s31 =	sshrl.u32 s13, $0x3;
	s13 =	sadd.s32 $0x480, s22;
	[sflag:s11] =	ssyncadd.s32 $0xFFFFF000  }
0x63: {  	p0 =	sne.s32 s24, $0x5000;
	s1 =	ssub.s32 s17, s1;
	s22 =	sshrl.u32 s30, $0x7  }
0x64: {  	[tilespmem:s5], [sflag:$0x5] =	stream.indirect.gather [hbm4b:s3+s23], $0x20, s13, s23, $0xb8;
	[tilespmem:$0x6900] =	vst v63  }
0x65: {  	s24 =	smul.u32 $0x63FFE0, s22;
	s5 =	simm.s32 $0x1  }
0x66: {  	s22 =	sshra.s32 s28, $0x2;
	s13 =	sshrl.u32 s1, $0x3;
	_ =	swait.ge [sflag:s5], $0x1000  }
0x67: {  	s28 =	ssub.s32 s14, s24;
	s24 =	simm.s32 $0x1900;
	[sflag:s5] =	ssyncset.done $0x0  }
0x68: {  	s1 =	sadd.s32 s4, s31;
	[sflag:s5] =	ssyncadd.s32 $0xFFFFF000;
	s5 =	simm.s32 $0x6  }
0x69: {  	[hbm4b:s1+s26] =	stream.strided.scatter [tilespmem:s24], [sflag:$0x6], $0x1000, s23, s26, $0x38;
	[tilespmem:$0x6900] =	vst v63  }
0x6a: {  	s1 =	sadd.s32 $0x280, s22;
	_ =	swait.ge [sflag:s5], $0x1000  }
0x6b: {  	[sflag:s5] =	ssyncset.done $0x0  }
0x6c: {  	[sflag:s5] =	ssyncadd.s32 $0xFFFFF000  }
0x6d: {  	[tilespmem:s24], [sflag:$0x1] =	stream.indirect.gather [hbm4b:s3+s23], $0x20, s1, s23, $0xb8;
	[tilespmem:$0x6900] =	vst v63  }
0x6e: {  	s31 =	simm.s32 $0x1900;
	s1 =	simm.s32 $0x2  }
0x6f: {  	_ =	swait.ge [sflag:s1], $0x1000  }
0x70: {  	s0 =	sadd.s32 s4, s0;
	[sflag:s1] =	ssyncset.done $0x0  }
0x71: {  	s24 =	simm.s32 $0x2900;
	[sflag:s1] =	ssyncadd.s32 $0xFFFFF000;
	s1 =	simm.s32 $0x7  }
0x72: {  	[hbm4b:s0+s26] =	stream.strided.scatter [tilespmem:s24], [sflag:$0x7], $0x1000, s23, s26, $0x38;
	[tilespmem:$0x6900] =	vst v63  }
0x73: {  	s16 =	sadd.s32 $0x5, s16;
	s0 =	sadd.s32 $0x300, s22;
	_ =	swait.ge [sflag:s1], $0x1000  }
0x74: {  	s12 =	sadd.s32 $0x14000, s12;
	s14 =	sadd.s32 $0x14000, s14;
	[sflag:s1] =	ssyncset.done $0x0  }
0x75: {  	s5 =	simm.s32 $0x3;
	[sflag:s1] =	ssyncadd.s32 $0xFFFFF000;
	s1 =	simm.s32 $0x2900  }
0x76: {  	[tilespmem:s24], [sflag:$0x2] =	stream.indirect.gather [hbm4b:s3+s23], $0x20, s0, s23, $0xb8;
	[tilespmem:$0x6900] =	vst v63  }
.Ltmp0:
0x77: {  	s0 =	sadd.s32 s4, s29;
	_ =	swait.ge [sflag:s5], $0x1000;
	(pc) =	sbr.rel @p0 .LBB2_2-.Ltmp0, $4  }
0x78: {  	s18 =	sadd.s32 $0x5, s18;
	s17 =	sadd.s32 $0x14000, s17;
	[sflag:s5] =	ssyncset.done $0x0  }
0x79: {  	s20 =	sadd.s32 $0x5, s20;
	s15 =	sadd.s32 $0x5, s15;
	[sflag:s5] =	ssyncadd.s32 $0xFFFFF000  }
0x7a: {  	[hbm4b:s0+s26] =	stream.strided.scatter [tilespmem:s2], [sflag:$0x8], $0x1000, s23, s26, $0x38;
	[tilespmem:$0x6900] =	vst v63  }
0x7b: {  	s30 =	sadd.s32 $0x380, s22;
	s24 =	smov.u32 s25;
	_ =	swait.ge [sflag:s6], $0x1000  }
0x7c: {  	[sflag:s6] =	ssyncset.done $0x0  }
0x7d: {  	s2 =	simm.s32 $0x3900;
	[sflag:s6] =	ssyncadd.s32 $0xFFFFF000  }
0x7e: {  	[tilespmem:s2], [sflag:$0x3] =	stream.indirect.gather [hbm4b:s3+s23], $0x20, s30, s23, $0xb8;
	[tilespmem:$0x6900] =	vst v63  }
0x7f: {  	_ =	swait.ge [sflag:s7], $0x1000  }
0x80: {  	s0 =	sshrl.u32 s28, $0x3;
	[sflag:s7] =	ssyncset.done $0x0  }
0x81: {  	s5 =	simm.s32 $0x4900;
	s0 =	sadd.s32 s4, s0;
	[sflag:s7] =	ssyncadd.s32 $0xFFFFF000  }
0x82: {  	[hbm4b:s0+s26] =	stream.strided.scatter [tilespmem:s5], [sflag:$0x9], $0x1000, s23, s26, $0x38;
	[tilespmem:$0x6900] =	vst v63  }
0x83: {  	_ =	swait.ge [sflag:s8], $0x1000  }
0x84: {  	[sflag:s8] =	ssyncset.done $0x0  }
0x85: {  	s14 =	sadd.s32 $0x400, s22;
	[sflag:s8] =	ssyncadd.s32 $0xFFFFF000  }
0x86: {  	[tilespmem:s5], [sflag:$0x4] =	stream.indirect.gather [hbm4b:s3+s23], $0x20, s14, s23, $0xb8;
	[tilespmem:$0x6900] =	vst v63  }
0x87: {  	_ =	swait.ge [sflag:s10], $0x1000  }
0x88: {  	[sflag:s10] =	ssyncset.done $0x0  }
0x89: {  	s15 =	sadd.s32 s4, s13;
	s12 =	simm.s32 $0x5900;
	[sflag:s10] =	ssyncadd.s32 $0xFFFFF000  }
0x8a: {  	[hbm4b:s15+s26] =	stream.strided.scatter [tilespmem:s12], [sflag:$0xA], $0x1000, s23, s26, $0x38;
	[tilespmem:$0x6900] =	vst v63  }
0x8b: {  	_ =	swait.ge [sflag:s11], $0x1000  }
0x8c: {  	[sflag:s11] =	ssyncset.done $0x0  }
0x8d: {  	s16 =	sadd.s32 $0x480, s22;
	s17 =	simm.s32 $0x1;
	[sflag:s11] =	ssyncadd.s32 $0xFFFFF000  }
0x8e: {  	[tilespmem:s12], [sflag:$0x5] =	stream.indirect.gather [hbm4b:s3+s23], $0x20, s16, s23, $0xb8;
	[tilespmem:$0x6900] =	vst v63  }
0x8f: {  	_ =	swait.ge [sflag:s17], $0x1000  }
0x90: {  	[sflag:s17] =	ssyncset.done $0x0  }
0x91: {  	s19 =	simm.s32 $0x6;
	s18 =	rddreg [dreg:$0x4];
	[sflag:s17] =	ssyncadd.s32 $0xFFFFF000  }
0x92: {  	[hbm4b:s18+s26] =	stream.strided.scatter [tilespmem:s31], [sflag:$0x6], $0x1000, s23, s26, $0x38;
	[tilespmem:$0x6900] =	vst v63  }
0x93: {  	_ =	swait.ge [sflag:s19], $0x1000  }
0x94: {  	[sflag:s19] =	ssyncset.done $0x0  }
0x95: {  	s20 =	simm.s32 $0x2;
	[sflag:s19] =	ssyncadd.s32 $0xFFFFF000  }
0x96: {  	_ =	swait.ge [sflag:s20], $0x1000  }
0x97: {  	[sflag:s20] =	ssyncset.done $0x0  }
0x98: {  	s22 =	simm.s32 $0x7;
	s21 =	rddreg [dreg:$0x5];
	[sflag:s20] =	ssyncadd.s32 $0xFFFFF000  }
0x99: {  	[hbm4b:s21+s26] =	stream.strided.scatter [tilespmem:s1], [sflag:$0x7], $0x1000, s23, s26, $0x38;
	[tilespmem:$0x6900] =	vst v63  }
0x9a: {  	_ =	swait.ge [sflag:s22], $0x1000  }
0x9b: {  	[sflag:s22] =	ssyncset.done $0x0  }
0x9c: {  	s24 =	simm.s32 $0x3;
	[sflag:s22] =	ssyncadd.s32 $0xFFFFF000  }
0x9d: {  	_ =	swait.ge [sflag:s24], $0x1000  }
0x9e: {  	[sflag:s24] =	ssyncset.done $0x0  }
0x9f: {  	s25 =	rddreg [dreg:$0x6];
	[sflag:s24] =	ssyncadd.s32 $0xFFFFF000  }
0xa0: {  	[hbm4b:s25+s26] =	stream.strided.scatter [tilespmem:s2], [sflag:$0x8], $0x1000, s23, s26, $0x38;
	[tilespmem:$0x6900] =	vst v63  }
0xa1: {  	_ =	swait.ge [sflag:s6], $0x1000  }
0xa2: {  	[sflag:s6] =	ssyncset.done $0x0  }
0xa3: {  	[sflag:s6] =	ssyncadd.s32 $0xFFFFF000  }
0xa4: {  	_ =	swait.ge [sflag:s7], $0x1000  }
0xa5: {  	[sflag:s7] =	ssyncset.done $0x0  }
0xa6: {  	s28 =	rddreg [dreg:$0x8];
	[sflag:s7] =	ssyncadd.s32 $0xFFFFF000  }
0xa7: {  	[hbm4b:s28+s26] =	stream.strided.scatter [tilespmem:s5], [sflag:$0x9], $0x1000, s23, s26, $0x38;
	[tilespmem:$0x6900] =	vst v63  }
0xa8: {  	_ =	swait.ge [sflag:s8], $0x1000  }
0xa9: {  	[sflag:s8] =	ssyncset.done $0x0  }
0xaa: {  	[sflag:s8] =	ssyncadd.s32 $0xFFFFF000  }
0xab: {  	_ =	swait.ge [sflag:s10], $0x1000  }
0xac: {  	[sflag:s10] =	ssyncset.done $0x0  }
0xad: {  	s29 =	rddreg [dreg:$0x9];
	[sflag:s10] =	ssyncadd.s32 $0xFFFFF000  }
0xae: {  	[hbm4b:s29+s26] =	stream.strided.scatter [tilespmem:s12], [sflag:$0xA], $0x1000, s23, s26, $0x38;
	[tilespmem:$0x6900] =	vst v63  }
0xaf: {  	_ =	swait.ge [sflag:s11], $0x1000  }
0xb0: {  	s30 =	rddreg [dreg:$0x14]  }
0xb1: {  	s31 =	rddreg [dreg:$0xb];
	s1 =	sadd.s32 $0x1, s30  }
0xb2: {  	p0 =	sne.s32 s1, s31  }
.Ltmp1:
0xb3: {  	_ = 	snop;
	(pc) =	sbr.rel @p0 .LBB2_1-.Ltmp1, $3  }
0xb4: {  	_ =	sdelay $0x1  }
0xb5: {  	[sflag:s11] =	ssyncset.done $0x0  }
0xb6: {  	s9 =	simm.s32 $0x4900;
	s5 =	simm.s32 $0x5900;
	[sflag:s11] =	ssyncadd.s32 $0xFFFFF000  }
0xb7: {  	_ =	sfence.sel $0x180000  }
0xb8: {  	[bflag:$0x0] =	sbarrier.arrive $0xFFFF  }
0xb9: {  	_ =	strace $0x90000047  }
0xba: {  	s0 =	stileid.u32;
	[bflag:$0x2] =	sbarrier.arrive $0xFFFF  }
0xbb: {  	p0 =	sne.s32 s0, $0x0;
	s0 =	rddreg [dreg:$0x2]  }
0xbc: {  	s0 =	sadd.s32 @!p0 $0x100000, s0  }
0xbd: {  	[sflag:s0] =	ssyncadd.tile.s32 @!p0 $0x1;
	_ =	shalt  }
.Lfunc_end2:
_tile_overlayer_lowered:
.L_overlay_start_2:
0xbe: {  	(tag) =	ssettag $0x2  }
0xbf: {  	s0 =	rddreg [dreg:$0x0];
	s2 =	stileid.u32  }
0xc0: {  	s1 =	rddreg [dreg:$0x1];
	p0 =	sne.s32 s2, $0x0  }
0xc1: {  	s3 =	rddreg [dreg:$0x2];
	[bflag:$0x3] =	sbarrier.arrive $0xFFFF;
	s2 =	simm.s32 @!p0 $0x1C0B  }
0xc2: {  	[timem:s3], [sflag:s2] =	dma.local @!p0 [hbm:s0], s1  }
0xc3: {  	s0 =	simm.s32 @!p0 $0xB  }
0xc4: {  	_ =	swait.ge @!p0 [sflag:s0], s1  }
0xc5: {  	s1 =	ssub.s32 @!p0 $0x0, s1;
	[sflag:s0] =	ssyncset.done @!p0 $0x0  }
0xc6: {  	[sflag:s0] =	ssyncadd.s32 @!p0 s1  }
0xc7: {  	[bflag:$0x3] =	sbarrier.arrive $0xFFFF  }
0xc8: {  	_ =	shalt  }

</sc_bundles>
